<compile_context>
chip_gen: v7x
topology: tpu7x:2x2x1
jax: 0.10.2.dev20260603
libtpu: 0.0.44.dev20260713+nightly
codegen_flags: <defaults>
</compile_context>

<pallas_src>
import jax
import jax.numpy as jnp
from jax import lax
from jax.experimental import pallas as pl
from jax.experimental.pallas import tpu as pltpu
from jax.experimental.pallas import tpu_sc as plsc

N = 10000
E = 320000
H = 128
G = 128
OUT = 40
NUM_LAYERS = 3
_INV = 1.0 / (1.0 + 1e-5) ** 0.5

NC = 2
NS = 16
CHUNK = 128
CPW = 79
EPAD = NC * NS * CPW * CHUNK
ROWS_PER_TILE = 640
NPAD = NS * ROWS_PER_TILE

_f32 = jnp.float32


def _sc_agg_body(h_hbm, src_hbm, dst_hbm, zeros_hbm, out_hbm,
                 src_v, dst_v, rows_v, acc, sem):
    c = lax.axis_index("c")
    s = lax.axis_index("s")
    wid = c * NS + s
    r0 = s * ROWS_PER_TILE

    pltpu.sync_copy(zeros_hbm, acc.at[pl.ds(r0, ROWS_PER_TILE)])
    pltpu.sync_copy(src_hbm.at[wid], src_v)
    pltpu.sync_copy(dst_hbm.at[wid], dst_v)
    plsc.subcore_barrier()

    def body(j, carry):
        pltpu.async_copy(h_hbm.at[src_v.at[j]], rows_v, sem).wait()
        pltpu.sync_copy(rows_v, acc.at[dst_v.at[j]], add=True)
        return carry

    lax.fori_loop(0, CPW, body, 0)
    plsc.subcore_barrier()
    pltpu.sync_copy(acc.at[pl.ds(r0, ROWS_PER_TILE)],
                    out_hbm.at[pl.ds(c * NPAD + r0, ROWS_PER_TILE)])


def _sc_agg(h, src3, dst3, zrows):
    mesh = plsc.VectorSubcoreMesh(core_axis_name="c", subcore_axis_name="s")
    f = pl.kernel(
        _sc_agg_body,
        out_type=jax.ShapeDtypeStruct((NC * NPAD, H), _f32),
        mesh=mesh,
        scratch_types=[
            pltpu.VMEM((CPW, CHUNK), jnp.int32),
            pltpu.VMEM((CPW, CHUNK), jnp.int32),
            pltpu.VMEM((CHUNK, H), _f32),
            pltpu.VMEM_SHARED((NPAD, H), _f32),
            pltpu.SemaphoreType.DMA,
        ],
    )
    return f(h, src3, dst3, zrows)


def _mm(a, b):
    return jnp.dot(a, b, preferred_element_type=_f32)


def _onehots(bc, br):
    colg = lax.broadcasted_iota(jnp.int32, (N, G), 1)
    rowg = lax.broadcasted_iota(jnp.int32, (G, N), 0)
    bmem = (bc == colg).astype(_f32)
    bmem_t = (br == rowg).astype(_f32)
    return bmem, bmem_t


def _vn_mlp(pooled, vW1, vb1, vW2, vb2):
    t = jax.nn.relu(_mm(pooled, vW1) + vb1)
    return _mm(t, vW2) + vb2


def _tc0_body(x_ref, bc_ref, br_ref, Wi_ref, bi_ref, bn0w_ref, bn0b_ref,
              vne_ref, vW1_ref, vb1_ref, vW2_ref, vb2_ref,
              hpre_out, vnu_out):
    h = jax.nn.relu(_mm(x_ref[...], Wi_ref[...]) + bi_ref[...])
    h = h * (_INV * bn0w_ref[...]) + bn0b_ref[...]
    bmem, bmem_t = _onehots(bc_ref[...], br_ref[...])
    pooled = _mm(bmem_t, h) + vne_ref[...]
    vnu = _vn_mlp(pooled, vW1_ref[...], vb1_ref[...], vW2_ref[...], vb2_ref[...])
    hpre_out[...] = h + _mm(bmem, vnu)
    vnu_out[...] = vnu


def _gin_post(hpre, agg_ref, eps_ref, cW1_ref, cb1_ref, cW2_ref, cb2_ref,
              bnw_ref, bnb_ref):
    agg = agg_ref[0:N, :] + agg_ref[NPAD:NPAD + N, :]
    g = (1.0 + eps_ref[0, 0]) * hpre + agg
    g = jax.nn.relu(_mm(g, cW1_ref[...]) + cb1_ref[...])
    g = _mm(g, cW2_ref[...]) + cb2_ref[...]
    return jax.nn.relu(g * (_INV * bnw_ref[...]) + bnb_ref[...])


def _tc_mid_body(hpre_ref, agg_ref, bc_ref, br_ref, eps_ref,
                 cW1_ref, cb1_ref, cW2_ref, cb2_ref, bnw_ref, bnb_ref,
                 vprev_ref, vW1_ref, vb1_ref, vW2_ref, vb2_ref,
                 hpre_out, vnu_out):
    h = _gin_post(hpre_ref[...], agg_ref, eps_ref, cW1_ref, cb1_ref,
                  cW2_ref, cb2_ref, bnw_ref, bnb_ref)
    bmem, bmem_t = _onehots(bc_ref[...], br_ref[...])
    pooled = _mm(bmem_t, h) + vprev_ref[...]
    vnu = _vn_mlp(pooled, vW1_ref[...], vb1_ref[...], vW2_ref[...], vb2_ref[...])
    hpre_out[...] = h + _mm(bmem, vnu)
    vnu_out[...] = vnu


def _tc_fin_body(hpre_ref, agg_ref, br_ref, eps_ref,
                 cW1_ref, cb1_ref, cW2_ref, cb2_ref, bnw_ref, bnb_ref,
                 vprev_ref, f1W_ref, f1b_ref, f2W_ref, f2b_ref, out_ref):
    h = _gin_post(hpre_ref[...], agg_ref, eps_ref, cW1_ref, cb1_ref,
                  cW2_ref, cb2_ref, bnw_ref, bnb_ref)
    rowg = lax.broadcasted_iota(jnp.int32, (G, N), 0)
    bmem_t = (br_ref[...] == rowg).astype(_f32)
    ge = _mm(bmem_t, h) + vprev_ref[...]
    o = jax.nn.relu(_mm(ge, f1W_ref[...]) + f1b_ref[...])
    o = _mm(o, f2W_ref[...]) + f2b_ref[...]
    m = jnp.max(o, axis=-1, keepdims=True)
    e = jnp.exp(o - m)
    out_ref[...] = (o - m) - jnp.log(jnp.sum(e, axis=-1, keepdims=True))


_tc0 = pl.pallas_call(
    _tc0_body,
    out_shape=(jax.ShapeDtypeStruct((N, H), _f32),
               jax.ShapeDtypeStruct((G, H), _f32)),
)

_tc_mid = pl.pallas_call(
    _tc_mid_body,
    out_shape=(jax.ShapeDtypeStruct((N, H), _f32),
               jax.ShapeDtypeStruct((G, H), _f32)),
)

_tc_fin = pl.pallas_call(
    _tc_fin_body,
    out_shape=jax.ShapeDtypeStruct((G, OUT), _f32),
)


def kernel(x, edge_index, batch, W_init, b_init, bn0_w, bn0_b, vn_emb, eps,
           conv_W1, conv_b1, conv_W2, conv_b2, bn_w, bn_b,
           vn_W1, vn_b1, vn_W2, vn_b2, fc1_W, fc1_b, fc2_W, fc2_b):
    bc = batch.reshape(N, 1)
    br = batch.reshape(1, N)
    pad = EPAD - E
    src3 = jnp.concatenate(
        [edge_index[0], jnp.zeros((pad,), jnp.int32)]).reshape(NC * NS, CPW, CHUNK)
    dst3 = jnp.concatenate(
        [edge_index[1], jnp.full((pad,), N, jnp.int32)]).reshape(NC * NS, CPW, CHUNK)
    zrows = jnp.zeros((ROWS_PER_TILE, H), _f32)
    r2 = lambda v: v.reshape(1, -1)

    hpre, vnu = _tc0(x, bc, br, W_init, r2(b_init), r2(bn0_w), r2(bn0_b),
                     vn_emb, vn_W1[0], r2(vn_b1[0]), vn_W2[0], r2(vn_b2[0]))
    out = None
    for i in range(NUM_LAYERS):
        agg = _sc_agg(hpre, src3, dst3, zrows)
        ei = eps[i].reshape(1, 1)
        if i < NUM_LAYERS - 1:
            hpre, vnu = _tc_mid(
                hpre, agg, bc, br, ei,
                conv_W1[i], r2(conv_b1[i]), conv_W2[i], r2(conv_b2[i]),
                r2(bn_w[i]), r2(bn_b[i]),
                vnu, vn_W1[i + 1], r2(vn_b1[i + 1]), vn_W2[i + 1], r2(vn_b2[i + 1]))
        else:
            out = _tc_fin(
                hpre, agg, br, ei,
                conv_W1[i], r2(conv_b1[i]), conv_W2[i], r2(conv_b2[i]),
                r2(bn_w[i]), r2(bn_b[i]),
                vnu, fc1_W, r2(fc1_b), fc2_W, r2(fc2_b))
    return out

# --- scband reference (transcript-rebuilt; emitter-appended) ---
"""Pipeline reference for scband-ginwith-virtual-node-4518305595716 (READ-ONLY COPY).

The authoritative reference and input builder live on the scoring server;
editing this copy changes nothing except your own understanding.
"""

import jax, jax.numpy as jnp
import numpy as np

N, E, D_IN, H, OUT = 10000, 320000, 128, 128, 40
NUM_GRAPHS = 128
NUM_LAYERS = 3
BN_EPS = 1e-5


def setup_inputs(seed: int = 0):
    key = jax.random.key(seed)
    ks = jax.random.split(key, 32)
    s = 0.05
    inp = {}
    inp['x'] = jax.random.normal(ks[0], (N, D_IN), dtype=jnp.float32)
    inp['edge_index'] = jax.random.randint(ks[1], (2, E), 0, N, dtype=jnp.int32)
    inp['batch'] = jnp.sort(jax.random.randint(ks[2], (N,), 0, NUM_GRAPHS, dtype=jnp.int32))
    # initial_mlp: Linear(D_IN,H) -> ReLU -> BatchNorm1d(H)
    inp['W_init'] = jax.random.normal(ks[3], (D_IN, H), dtype=jnp.float32) * s
    inp['b_init'] = jnp.zeros((H,), dtype=jnp.float32)
    inp['bn0_w'] = jnp.ones((H,), dtype=jnp.float32)
    inp['bn0_b'] = jnp.zeros((H,), dtype=jnp.float32)
    # virtual node embedding (1 row)
    inp['vn_emb'] = jax.random.normal(ks[4], (1, H), dtype=jnp.float32) * s
    # per-layer GINConv eps (train_eps=True, init 0)
    inp['eps'] = jnp.zeros((NUM_LAYERS,), dtype=jnp.float32)
    # per-layer GIN MLP: Linear(H,H) -> ReLU -> Linear(H,H)
    inp['conv_W1'] = jax.random.normal(ks[5], (NUM_LAYERS, H, H), dtype=jnp.float32) * s
    inp['conv_b1'] = jnp.zeros((NUM_LAYERS, H), dtype=jnp.float32)
    inp['conv_W2'] = jax.random.normal(ks[6], (NUM_LAYERS, H, H), dtype=jnp.float32) * s
    inp['conv_b2'] = jnp.zeros((NUM_LAYERS, H), dtype=jnp.float32)
    # per-layer BatchNorm1d params
    inp['bn_w'] = jnp.ones((NUM_LAYERS, H), dtype=jnp.float32)
    inp['bn_b'] = jnp.zeros((NUM_LAYERS, H), dtype=jnp.float32)
    # per-layer virtual-node MLP
    inp['vn_W1'] = jax.random.normal(ks[7], (NUM_LAYERS, H, H), dtype=jnp.float32) * s
    inp['vn_b1'] = jnp.zeros((NUM_LAYERS, H), dtype=jnp.float32)
    inp['vn_W2'] = jax.random.normal(ks[8], (NUM_LAYERS, H, H), dtype=jnp.float32) * s
    inp['vn_b2'] = jnp.zeros((NUM_LAYERS, H), dtype=jnp.float32)
    # readout head
    inp['fc1_W'] = jax.random.normal(ks[9], (H, H), dtype=jnp.float32) * s
    inp['fc1_b'] = jnp.zeros((H,), dtype=jnp.float32)
    inp['fc2_W'] = jax.random.normal(ks[10], (H, OUT), dtype=jnp.float32) * s
    inp['fc2_b'] = jnp.zeros((OUT,), dtype=jnp.float32)
    return inp


def reference(x, edge_index, batch, W_init, b_init, bn0_w, bn0_b, vn_emb, eps,
              conv_W1, conv_b1, conv_W2, conv_b2, bn_w, bn_b,
              vn_W1, vn_b1, vn_W2, vn_b2, fc1_W, fc1_b, fc2_W, fc2_b):
    # eval-mode module: dropout is identity, BatchNorm uses running stats (mean=0, var=1)
    inv = 1.0 / jnp.sqrt(1.0 + BN_EPS)
    h = x @ W_init + b_init
    h = jax.nn.relu(h)
    h = h * inv * bn0_w + bn0_b
    vn = vn_emb  # [1, H], broadcast over graphs (== repeat(G, 1) semantics)
    src = edge_index[0]
    dst = edge_index[1]
    for i in range(NUM_LAYERS):
        pooled = jax.ops.segment_sum(h, batch, num_segments=NUM_GRAPHS) + vn
        t = jax.nn.relu(pooled @ vn_W1[i] + vn_b1[i])
        vn_upd = t @ vn_W2[i] + vn_b2[i]  # [G, H]
        h = h + vn_upd[batch]
        # GINConv: sum-aggregate neighbor features (scatter-add by dst)
        agg = jnp.zeros_like(h).at[dst].add(h[src])
        g = (1.0 + eps[i]) * h + agg
        g = jax.nn.relu(g @ conv_W1[i] + conv_b1[i])
        g = g @ conv_W2[i] + conv_b2[i]
        g = g * inv * bn_w[i] + bn_b[i]
        h = jax.nn.relu(g)
        vn = vn_upd
    graph_emb = jax.ops.segment_sum(h, batch, num_segments=NUM_GRAPHS) + vn
    o = jax.nn.relu(graph_emb @ fc1_W + fc1_b)
    o = o @ fc2_W + fc2_b
    return jax.nn.log_softmax(o, axis=-1)

if __name__ == "__main__":
    import jax
    _d = setup_inputs()
    print(jax.jit(kernel)(*tuple(_d.values())))

</pallas_src>

<mosaic_0001>
#map = affine_map<(d0, d1) -> (0, 0)>
#map1 = affine_map<(d0, d1) -> (0, 0, 0)>
module attributes {stable_mosaic.version = 14 : i64} {
  func.func @_sc_agg_body(%arg0: i32, %arg1: i32, %arg2: memref<10000x128xf32, #tpu.memory_space<hbm>>, %arg3: memref<32x79x128xi32, #tpu.memory_space<hbm>>, %arg4: memref<32x79x128xi32, #tpu.memory_space<hbm>>, %arg5: memref<640x128xf32, #tpu.memory_space<hbm>>, %arg6: memref<20480x128xf32, #tpu.memory_space<hbm>>, %arg7: memref<79x128xi32, #tpu.memory_space<vmem>>, %arg8: memref<79x128xi32, #tpu.memory_space<vmem>>, %arg9: memref<128x128xf32, #tpu.memory_space<vmem>>, %arg10: memref<10240x128xf32, #tpu.memory_space<vmem_shared>>, %arg11: memref<!tpu.dma_semaphore, #tpu.memory_space<semaphore_mem>>) attributes {dimension_semantics = [#tpu.dimension_semantics<core_parallel>, #tpu.dimension_semantics<subcore_parallel>], iteration_bounds = array<i64: 2, 16>, scalar_prefetch = 0 : i64, scratch_operands = 5 : i64, tpu.core_type = #tpu.core_type<sc_vector_subcore>, window_params = [{transform_indices = #map}, {transform_indices = #map1}, {transform_indices = #map1}, {transform_indices = #map}, {transform_indices = #map}]} {
    %mul3A = arith.constant 16 : i32
    %mul3A_0 = arith.muli %arg0, %mul3A : i32
    %add3A = arith.addi %mul3A_0, %arg1 : i32
    %mul3A_1 = arith.constant 640 : i32
    %mul3A_2 = arith.muli %arg1, %mul3A_1 : i32
    "tpu.region"() ({
      %run_scoped3A = tpu.sem_alloc : memref<!tpu.dma_semaphore, #tpu.memory_space<semaphore_mem>>
      %dma_start3A = arith.constant 0 : i32
      %dma_start3A_12 = tpu.memref_slice %arg10[%mul3A_2, %dma_start3A] : memref<10240x128xf32, #tpu.memory_space<vmem_shared>> -> memref<640x128xf32, #tpu.memory_space<vmem_shared>>
      tpu.enqueue_dma source(%arg5 : memref<640x128xf32, #tpu.memory_space<hbm>>) target(%dma_start3A_12 : memref<640x128xf32, #tpu.memory_space<vmem_shared>>) target_semaphore(%run_scoped3A : memref<!tpu.dma_semaphore, #tpu.memory_space<semaphore_mem>>)
      %dma_wait3A = arith.constant 0 : i32
      %dma_wait3A_13 = tpu.memref_slice %arg10[%mul3A_2, %dma_wait3A] : memref<10240x128xf32, #tpu.memory_space<vmem_shared>> -> memref<640x128xf32, #tpu.memory_space<vmem_shared>>
      tpu.wait_dma2 semaphore(%run_scoped3A : memref<!tpu.dma_semaphore, #tpu.memory_space<semaphore_mem>>) src(%arg5 : memref<640x128xf32, #tpu.memory_space<hbm>>) dst(%dma_wait3A_13 : memref<640x128xf32, #tpu.memory_space<vmem_shared>>)
      tpu.yield
    }) : () -> ()
    "tpu.region"() ({
      %run_scoped3A = tpu.sem_alloc : memref<!tpu.dma_semaphore, #tpu.memory_space<semaphore_mem>>
      %dma_start3A = arith.constant 0 : i32
      %dma_start3A_12 = arith.constant 0 : i32
      %dma_start3A_13 = tpu.memref_slice %arg3[%add3A, %dma_start3A, %dma_start3A_12] : memref<32x79x128xi32, #tpu.memory_space<hbm>> -> memref<1x79x128xi32, #tpu.memory_space<hbm>>
      %dma_start3A_14 = tpu.memref_squeeze %dma_start3A_13 : memref<1x79x128xi32, #tpu.memory_space<hbm>> -> memref<79x128xi32, #tpu.memory_space<hbm>>
      %dma_start3A_15 = arith.constant 0 : i32
      %dma_start3A_16 = arith.constant 0 : i32
      %dma_start3A_17 = tpu.memref_slice %arg3[%add3A, %dma_start3A_15, %dma_start3A_16] : memref<32x79x128xi32, #tpu.memory_space<hbm>> -> memref<1x79x128xi32, #tpu.memory_space<hbm>>
      %dma_start3A_18 = tpu.memref_squeeze %dma_start3A_17 : memref<1x79x128xi32, #tpu.memory_space<hbm>> -> memref<79x128xi32, #tpu.memory_space<hbm>>
      tpu.enqueue_dma source(%dma_start3A_18 : memref<79x128xi32, #tpu.memory_space<hbm>>) target(%arg7 : memref<79x128xi32, #tpu.memory_space<vmem>>) target_semaphore(%run_scoped3A : memref<!tpu.dma_semaphore, #tpu.memory_space<semaphore_mem>>)
      %dma_wait3A = arith.constant 0 : i32
      %dma_wait3A_19 = arith.constant 0 : i32
      %dma_wait3A_20 = tpu.memref_slice %arg3[%add3A, %dma_wait3A, %dma_wait3A_19] : memref<32x79x128xi32, #tpu.memory_space<hbm>> -> memref<1x79x128xi32, #tpu.memory_space<hbm>>
      %dma_wait3A_21 = tpu.memref_squeeze %dma_wait3A_20 : memref<1x79x128xi32, #tpu.memory_space<hbm>> -> memref<79x128xi32, #tpu.memory_space<hbm>>
      %dma_wait3A_22 = arith.constant 0 : i32
      %dma_wait3A_23 = arith.constant 0 : i32
      %dma_wait3A_24 = tpu.memref_slice %arg3[%add3A, %dma_wait3A_22, %dma_wait3A_23] : memref<32x79x128xi32, #tpu.memory_space<hbm>> -> memref<1x79x128xi32, #tpu.memory_space<hbm>>
      %dma_wait3A_25 = tpu.memref_squeeze %dma_wait3A_24 : memref<1x79x128xi32, #tpu.memory_space<hbm>> -> memref<79x128xi32, #tpu.memory_space<hbm>>
      tpu.wait_dma2 semaphore(%run_scoped3A : memref<!tpu.dma_semaphore, #tpu.memory_space<semaphore_mem>>) src(%dma_wait3A_25 : memref<79x128xi32, #tpu.memory_space<hbm>>) dst(%arg7 : memref<79x128xi32, #tpu.memory_space<vmem>>)
      tpu.yield
    }) : () -> ()
    "tpu.region"() ({
      %run_scoped3A = tpu.sem_alloc : memref<!tpu.dma_semaphore, #tpu.memory_space<semaphore_mem>>
      %dma_start3A = arith.constant 0 : i32
      %dma_start3A_12 = arith.constant 0 : i32
      %dma_start3A_13 = tpu.memref_slice %arg4[%add3A, %dma_start3A, %dma_start3A_12] : memref<32x79x128xi32, #tpu.memory_space<hbm>> -> memref<1x79x128xi32, #tpu.memory_space<hbm>>
      %dma_start3A_14 = tpu.memref_squeeze %dma_start3A_13 : memref<1x79x128xi32, #tpu.memory_space<hbm>> -> memref<79x128xi32, #tpu.memory_space<hbm>>
      %dma_start3A_15 = arith.constant 0 : i32
      %dma_start3A_16 = arith.constant 0 : i32
      %dma_start3A_17 = tpu.memref_slice %arg4[%add3A, %dma_start3A_15, %dma_start3A_16] : memref<32x79x128xi32, #tpu.memory_space<hbm>> -> memref<1x79x128xi32, #tpu.memory_space<hbm>>
      %dma_start3A_18 = tpu.memref_squeeze %dma_start3A_17 : memref<1x79x128xi32, #tpu.memory_space<hbm>> -> memref<79x128xi32, #tpu.memory_space<hbm>>
      tpu.enqueue_dma source(%dma_start3A_18 : memref<79x128xi32, #tpu.memory_space<hbm>>) target(%arg8 : memref<79x128xi32, #tpu.memory_space<vmem>>) target_semaphore(%run_scoped3A : memref<!tpu.dma_semaphore, #tpu.memory_space<semaphore_mem>>)
      %dma_wait3A = arith.constant 0 : i32
      %dma_wait3A_19 = arith.constant 0 : i32
      %dma_wait3A_20 = tpu.memref_slice %arg4[%add3A, %dma_wait3A, %dma_wait3A_19] : memref<32x79x128xi32, #tpu.memory_space<hbm>> -> memref<1x79x128xi32, #tpu.memory_space<hbm>>
      %dma_wait3A_21 = tpu.memref_squeeze %dma_wait3A_20 : memref<1x79x128xi32, #tpu.memory_space<hbm>> -> memref<79x128xi32, #tpu.memory_space<hbm>>
      %dma_wait3A_22 = arith.constant 0 : i32
      %dma_wait3A_23 = arith.constant 0 : i32
      %dma_wait3A_24 = tpu.memref_slice %arg4[%add3A, %dma_wait3A_22, %dma_wait3A_23] : memref<32x79x128xi32, #tpu.memory_space<hbm>> -> memref<1x79x128xi32, #tpu.memory_space<hbm>>
      %dma_wait3A_25 = tpu.memref_squeeze %dma_wait3A_24 : memref<1x79x128xi32, #tpu.memory_space<hbm>> -> memref<79x128xi32, #tpu.memory_space<hbm>>
      tpu.wait_dma2 semaphore(%run_scoped3A : memref<!tpu.dma_semaphore, #tpu.memory_space<semaphore_mem>>) src(%dma_wait3A_25 : memref<79x128xi32, #tpu.memory_space<hbm>>) dst(%arg8 : memref<79x128xi32, #tpu.memory_space<vmem>>)
      tpu.yield
    }) : () -> ()
    %barrier3A = arith.constant 0 : index
    tpu.barrier barrier_id(%barrier3A)
    %scan3A = arith.constant 0 : i32
    %scan3A_3 = arith.constant 0 : i32
    %scan3A_4 = arith.constant 79 : i32
    %scan3A_5 = arith.addi %scan3A_3, %scan3A_4 : i32
    %scan3A_6 = arith.constant 1 : i32
    scf.for %scan3A_12 = %scan3A_3 to %scan3A_5 step %scan3A_6  : i32 {
      %dma_start3A = arith.constant 0 : i32
      %dma_start3A_13 = tpu.memref_slice %arg7[%scan3A_12, %dma_start3A] : memref<79x128xi32, #tpu.memory_space<vmem>> -> memref<1x128xi32, #tpu.memory_space<vmem>>
      %dma_start3A_14 = tpu.memref_squeeze %dma_start3A_13 : memref<1x128xi32, #tpu.memory_space<vmem>> -> memref<128xi32, #tpu.memory_space<vmem>>
      %dma_start3A_15 = arith.constant 0 : i32
      %dma_start3A_16 = arith.constant 0 : i32
      %dma_start3A_17 = tpu.memref_slice %arg2[%dma_start3A_15, %dma_start3A_16] : memref<10000x128xf32, #tpu.memory_space<hbm>> -> memref<10000x128xf32, #tpu.memory_space<hbm>>
      tpu.enqueue_indirect_dma source(%dma_start3A_17 : memref<10000x128xf32, #tpu.memory_space<hbm>>) target(%arg9 : memref<128x128xf32, #tpu.memory_space<vmem>>) offsets(%dma_start3A_14 : memref<128xi32, #tpu.memory_space<vmem>>) semaphore(%arg11 : memref<!tpu.dma_semaphore, #tpu.memory_space<semaphore_mem>>)
      %dma_wait3A = arith.constant 0 : i32
      %dma_wait3A_18 = tpu.memref_slice %arg7[%scan3A_12, %dma_wait3A] : memref<79x128xi32, #tpu.memory_space<vmem>> -> memref<1x128xi32, #tpu.memory_space<vmem>>
      %dma_wait3A_19 = tpu.memref_squeeze %dma_wait3A_18 : memref<1x128xi32, #tpu.memory_space<vmem>> -> memref<128xi32, #tpu.memory_space<vmem>>
      %dma_wait3A_20 = arith.constant 0 : i32
      %dma_wait3A_21 = arith.constant 0 : i32
      %dma_wait3A_22 = tpu.memref_slice %arg2[%dma_wait3A_20, %dma_wait3A_21] : memref<10000x128xf32, #tpu.memory_space<hbm>> -> memref<10000x128xf32, #tpu.memory_space<hbm>>
      tpu.wait_indirect_dma semaphore(%arg11 : memref<!tpu.dma_semaphore, #tpu.memory_space<semaphore_mem>>) src(%dma_wait3A_22 : memref<10000x128xf32, #tpu.memory_space<hbm>>) dst(%arg9 : memref<128x128xf32, #tpu.memory_space<vmem>>)
      "tpu.region"() ({
        %run_scoped3A = tpu.sem_alloc : memref<!tpu.dma_semaphore, #tpu.memory_space<semaphore_mem>>
        %dma_start3A_23 = arith.constant 0 : i32
        %dma_start3A_24 = tpu.memref_slice %arg8[%scan3A_12, %dma_start3A_23] : memref<79x128xi32, #tpu.memory_space<vmem>> -> memref<1x128xi32, #tpu.memory_space<vmem>>
        %dma_start3A_25 = tpu.memref_squeeze %dma_start3A_24 : memref<1x128xi32, #tpu.memory_space<vmem>> -> memref<128xi32, #tpu.memory_space<vmem>>
        %dma_start3A_26 = arith.constant 0 : i32
        %dma_start3A_27 = arith.constant 0 : i32
        %dma_start3A_28 = tpu.memref_slice %arg10[%dma_start3A_26, %dma_start3A_27] : memref<10240x128xf32, #tpu.memory_space<vmem_shared>> -> memref<10240x128xf32, #tpu.memory_space<vmem_shared>>
        tpu.enqueue_indirect_dma source(%arg9 : memref<128x128xf32, #tpu.memory_space<vmem>>) target(%dma_start3A_28 : memref<10240x128xf32, #tpu.memory_space<vmem_shared>>) offsets(%dma_start3A_25 : memref<128xi32, #tpu.memory_space<vmem>>) semaphore(%run_scoped3A : memref<!tpu.dma_semaphore, #tpu.memory_space<semaphore_mem>>) {add = true}
        %dma_wait3A_29 = arith.constant 0 : i32
        %dma_wait3A_30 = tpu.memref_slice %arg8[%scan3A_12, %dma_wait3A_29] : memref<79x128xi32, #tpu.memory_space<vmem>> -> memref<1x128xi32, #tpu.memory_space<vmem>>
        %dma_wait3A_31 = tpu.memref_squeeze %dma_wait3A_30 : memref<1x128xi32, #tpu.memory_space<vmem>> -> memref<128xi32, #tpu.memory_space<vmem>>
        %dma_wait3A_32 = arith.constant 0 : i32
        %dma_wait3A_33 = arith.constant 0 : i32
        %dma_wait3A_34 = tpu.memref_slice %arg10[%dma_wait3A_32, %dma_wait3A_33] : memref<10240x128xf32, #tpu.memory_space<vmem_shared>> -> memref<10240x128xf32, #tpu.memory_space<vmem_shared>>
        tpu.wait_indirect_dma semaphore(%run_scoped3A : memref<!tpu.dma_semaphore, #tpu.memory_space<semaphore_mem>>) src(%arg9 : memref<128x128xf32, #tpu.memory_space<vmem>>) dst(%dma_wait3A_34 : memref<10240x128xf32, #tpu.memory_space<vmem_shared>>)
        tpu.yield
      }) : () -> ()
    }
    %scan3A_7 = arith.constant 79 : i32
    %barrier3A_8 = arith.constant 0 : index
    tpu.barrier barrier_id(%barrier3A_8)
    %mul3A_9 = arith.constant 10240 : i32
    %mul3A_10 = arith.muli %arg0, %mul3A_9 : i32
    %add3A_11 = arith.addi %mul3A_10, %mul3A_2 : i32
    "tpu.region"() ({
      %run_scoped3A = tpu.sem_alloc : memref<!tpu.dma_semaphore, #tpu.memory_space<semaphore_mem>>
      %dma_start3A = arith.constant 0 : i32
      %dma_start3A_12 = tpu.memref_slice %arg6[%add3A_11, %dma_start3A] : memref<20480x128xf32, #tpu.memory_space<hbm>> -> memref<640x128xf32, #tpu.memory_space<hbm>>
      %dma_start3A_13 = arith.constant 0 : i32
      %dma_start3A_14 = tpu.memref_slice %arg10[%mul3A_2, %dma_start3A_13] : memref<10240x128xf32, #tpu.memory_space<vmem_shared>> -> memref<640x128xf32, #tpu.memory_space<vmem_shared>>
      tpu.enqueue_dma source(%dma_start3A_14 : memref<640x128xf32, #tpu.memory_space<vmem_shared>>) target(%dma_start3A_12 : memref<640x128xf32, #tpu.memory_space<hbm>>) target_semaphore(%run_scoped3A : memref<!tpu.dma_semaphore, #tpu.memory_space<semaphore_mem>>)
      %dma_wait3A = arith.constant 0 : i32
      %dma_wait3A_15 = tpu.memref_slice %arg6[%add3A_11, %dma_wait3A] : memref<20480x128xf32, #tpu.memory_space<hbm>> -> memref<640x128xf32, #tpu.memory_space<hbm>>
      %dma_wait3A_16 = arith.constant 0 : i32
      %dma_wait3A_17 = tpu.memref_slice %arg10[%mul3A_2, %dma_wait3A_16] : memref<10240x128xf32, #tpu.memory_space<vmem_shared>> -> memref<640x128xf32, #tpu.memory_space<vmem_shared>>
      tpu.wait_dma2 semaphore(%run_scoped3A : memref<!tpu.dma_semaphore, #tpu.memory_space<semaphore_mem>>) src(%dma_wait3A_17 : memref<640x128xf32, #tpu.memory_space<vmem_shared>>) dst(%dma_wait3A_15 : memref<640x128xf32, #tpu.memory_space<hbm>>)
      tpu.yield
    }) : () -> ()
    return
  }
}

#map = affine_map<(d0, d1) -> (0, 0)>
#map1 = affine_map<(d0, d1) -> (0, 0, 0)>
module attributes {stable_mosaic.version = 14 : i64} {
  func.func @_sc_agg_body(%arg0: i32, %arg1: i32, %arg2: memref<10000x128xf32, #tpu.memory_space<hbm>>, %arg3: memref<32x79x128xi32, #tpu.memory_space<hbm>>, %arg4: memref<32x79x128xi32, #tpu.memory_space<hbm>>, %arg5: memref<640x128xf32, #tpu.memory_space<hbm>>, %arg6: memref<20480x128xf32, #tpu.memory_space<hbm>>, %arg7: memref<79x128xi32, #tpu.memory_space<vmem>>, %arg8: memref<79x128xi32, #tpu.memory_space<vmem>>, %arg9: memref<128x128xf32, #tpu.memory_space<vmem>>, %arg10: memref<10240x128xf32, #tpu.memory_space<vmem_shared>>, %arg11: memref<!tpu.dma_semaphore, #tpu.memory_space<semaphore_mem>>) attributes {dimension_semantics = [#tpu.dimension_semantics<core_parallel>, #tpu.dimension_semantics<subcore_parallel>], iteration_bounds = array<i64: 2, 16>, scalar_prefetch = 0 : i64, scratch_operands = 5 : i64, tpu.core_type = #tpu.core_type<sc_vector_subcore>, window_params = [{transform_indices = #map}, {transform_indices = #map1}, {transform_indices = #map1}, {transform_indices = #map}, {transform_indices = #map}]} {
    %mul3A = arith.constant 16 : i32
    %mul3A_0 = arith.muli %arg0, %mul3A : i32
    %add3A = arith.addi %mul3A_0, %arg1 : i32
    %mul3A_1 = arith.constant 640 : i32
    %mul3A_2 = arith.muli %arg1, %mul3A_1 : i32
    "tpu.region"() ({
      %run_scoped3A = tpu.sem_alloc : memref<!tpu.dma_semaphore, #tpu.memory_space<semaphore_mem>>
      %dma_start3A = arith.constant 0 : i32
      %dma_start3A_12 = tpu.memref_slice %arg10[%mul3A_2, %dma_start3A] : memref<10240x128xf32, #tpu.memory_space<vmem_shared>> -> memref<640x128xf32, #tpu.memory_space<vmem_shared>>
      tpu.enqueue_dma source(%arg5 : memref<640x128xf32, #tpu.memory_space<hbm>>) target(%dma_start3A_12 : memref<640x128xf32, #tpu.memory_space<vmem_shared>>) target_semaphore(%run_scoped3A : memref<!tpu.dma_semaphore, #tpu.memory_space<semaphore_mem>>)
      %dma_wait3A = arith.constant 0 : i32
      %dma_wait3A_13 = tpu.memref_slice %arg10[%mul3A_2, %dma_wait3A] : memref<10240x128xf32, #tpu.memory_space<vmem_shared>> -> memref<640x128xf32, #tpu.memory_space<vmem_shared>>
      tpu.wait_dma2 semaphore(%run_scoped3A : memref<!tpu.dma_semaphore, #tpu.memory_space<semaphore_mem>>) src(%arg5 : memref<640x128xf32, #tpu.memory_space<hbm>>) dst(%dma_wait3A_13 : memref<640x128xf32, #tpu.memory_space<vmem_shared>>)
      tpu.yield
    }) : () -> ()
    "tpu.region"() ({
      %run_scoped3A = tpu.sem_alloc : memref<!tpu.dma_semaphore, #tpu.memory_space<semaphore_mem>>
      %dma_start3A = arith.constant 0 : i32
      %dma_start3A_12 = arith.constant 0 : i32
      %dma_start3A_13 = tpu.memref_slice %arg3[%add3A, %dma_start3A, %dma_start3A_12] : memref<32x79x128xi32, #tpu.memory_space<hbm>> -> memref<1x79x128xi32, #tpu.memory_space<hbm>>
      %dma_start3A_14 = tpu.memref_squeeze %dma_start3A_13 : memref<1x79x128xi32, #tpu.memory_space<hbm>> -> memref<79x128xi32, #tpu.memory_space<hbm>>
      %dma_start3A_15 = arith.constant 0 : i32
      %dma_start3A_16 = arith.constant 0 : i32
      %dma_start3A_17 = tpu.memref_slice %arg3[%add3A, %dma_start3A_15, %dma_start3A_16] : memref<32x79x128xi32, #tpu.memory_space<hbm>> -> memref<1x79x128xi32, #tpu.memory_space<hbm>>
      %dma_start3A_18 = tpu.memref_squeeze %dma_start3A_17 : memref<1x79x128xi32, #tpu.memory_space<hbm>> -> memref<79x128xi32, #tpu.memory_space<hbm>>
      tpu.enqueue_dma source(%dma_start3A_18 : memref<79x128xi32, #tpu.memory_space<hbm>>) target(%arg7 : memref<79x128xi32, #tpu.memory_space<vmem>>) target_semaphore(%run_scoped3A : memref<!tpu.dma_semaphore, #tpu.memory_space<semaphore_mem>>)
      %dma_wait3A = arith.constant 0 : i32
      %dma_wait3A_19 = arith.constant 0 : i32
      %dma_wait3A_20 = tpu.memref_slice %arg3[%add3A, %dma_wait3A, %dma_wait3A_19] : memref<32x79x128xi32, #tpu.memory_space<hbm>> -> memref<1x79x128xi32, #tpu.memory_space<hbm>>
      %dma_wait3A_21 = tpu.memref_squeeze %dma_wait3A_20 : memref<1x79x128xi32, #tpu.memory_space<hbm>> -> memref<79x128xi32, #tpu.memory_space<hbm>>
      %dma_wait3A_22 = arith.constant 0 : i32
      %dma_wait3A_23 = arith.constant 0 : i32
      %dma_wait3A_24 = tpu.memref_slice %arg3[%add3A, %dma_wait3A_22, %dma_wait3A_23] : memref<32x79x128xi32, #tpu.memory_space<hbm>> -> memref<1x79x128xi32, #tpu.memory_space<hbm>>
      %dma_wait3A_25 = tpu.memref_squeeze %dma_wait3A_24 : memref<1x79x128xi32, #tpu.memory_space<hbm>> -> memref<79x128xi32, #tpu.memory_space<hbm>>
      tpu.wait_dma2 semaphore(%run_scoped3A : memref<!tpu.dma_semaphore, #tpu.memory_space<semaphore_mem>>) src(%dma_wait3A_25 : memref<79x128xi32, #tpu.memory_space<hbm>>) dst(%arg7 : memref<79x128xi32, #tpu.memory_space<vmem>>)
      tpu.yield
    }) : () -> ()
    "tpu.region"() ({
      %run_scoped3A = tpu.sem_alloc : memref<!tpu.dma_semaphore, #tpu.memory_space<semaphore_mem>>
      %dma_start3A = arith.constant 0 : i32
      %dma_start3A_12 = arith.constant 0 : i32
      %dma_start3A_13 = tpu.memref_slice %arg4[%add3A, %dma_start3A, %dma_start3A_12] : memref<32x79x128xi32, #tpu.memory_space<hbm>> -> memref<1x79x128xi32, #tpu.memory_space<hbm>>
      %dma_start3A_14 = tpu.memref_squeeze %dma_start3A_13 : memref<1x79x128xi32, #tpu.memory_space<hbm>> -> memref<79x128xi32, #tpu.memory_space<hbm>>
      %dma_start3A_15 = arith.constant 0 : i32
      %dma_start3A_16 = arith.constant 0 : i32
      %dma_start3A_17 = tpu.memref_slice %arg4[%add3A, %dma_start3A_15, %dma_start3A_16] : memref<32x79x128xi32, #tpu.memory_space<hbm>> -> memref<1x79x128xi32, #tpu.memory_space<hbm>>
      %dma_start3A_18 = tpu.memref_squeeze %dma_start3A_17 : memref<1x79x128xi32, #tpu.memory_space<hbm>> -> memref<79x128xi32, #tpu.memory_space<hbm>>
      tpu.enqueue_dma source(%dma_start3A_18 : memref<79x128xi32, #tpu.memory_space<hbm>>) target(%arg8 : memref<79x128xi32, #tpu.memory_space<vmem>>) target_semaphore(%run_scoped3A : memref<!tpu.dma_semaphore, #tpu.memory_space<semaphore_mem>>)
      %dma_wait3A = arith.constant 0 : i32
      %dma_wait3A_19 = arith.constant 0 : i32
      %dma_wait3A_20 = tpu.memref_slice %arg4[%add3A, %dma_wait3A, %dma_wait3A_19] : memref<32x79x128xi32, #tpu.memory_space<hbm>> -> memref<1x79x128xi32, #tpu.memory_space<hbm>>
      %dma_wait3A_21 = tpu.memref_squeeze %dma_wait3A_20 : memref<1x79x128xi32, #tpu.memory_space<hbm>> -> memref<79x128xi32, #tpu.memory_space<hbm>>
      %dma_wait3A_22 = arith.constant 0 : i32
      %dma_wait3A_23 = arith.constant 0 : i32
      %dma_wait3A_24 = tpu.memref_slice %arg4[%add3A, %dma_wait3A_22, %dma_wait3A_23] : memref<32x79x128xi32, #tpu.memory_space<hbm>> -> memref<1x79x128xi32, #tpu.memory_space<hbm>>
      %dma_wait3A_25 = tpu.memref_squeeze %dma_wait3A_24 : memref<1x79x128xi32, #tpu.memory_space<hbm>> -> memref<79x128xi32, #tpu.memory_space<hbm>>
      tpu.wait_dma2 semaphore(%run_scoped3A : memref<!tpu.dma_semaphore, #tpu.memory_space<semaphore_mem>>) src(%dma_wait3A_25 : memref<79x128xi32, #tpu.memory_space<hbm>>) dst(%arg8 : memref<79x128xi32, #tpu.memory_space<vmem>>)
      tpu.yield
    }) : () -> ()
    %barrier3A = arith.constant 0 : index
    tpu.barrier barrier_id(%barrier3A)
    %scan3A = arith.constant 0 : i32
    %scan3A_3 = arith.constant 0 : i32
    %scan3A_4 = arith.constant 79 : i32
    %scan3A_5 = arith.addi %scan3A_3, %scan3A_4 : i32
    %scan3A_6 = arith.constant 1 : i32
    scf.for %scan3A_12 = %scan3A_3 to %scan3A_5 step %scan3A_6  : i32 {
      %dma_start3A = arith.constant 0 : i32
      %dma_start3A_13 = tpu.memref_slice %arg7[%scan3A_12, %dma_start3A] : memref<79x128xi32, #tpu.memory_space<vmem>> -> memref<1x128xi32, #tpu.memory_space<vmem>>
      %dma_start3A_14 = tpu.memref_squeeze %dma_start3A_13 : memref<1x128xi32, #tpu.memory_space<vmem>> -> memref<128xi32, #tpu.memory_space<vmem>>
      %dma_start3A_15 = arith.constant 0 : i32
      %dma_start3A_16 = arith.constant 0 : i32
      %dma_start3A_17 = tpu.memref_slice %arg2[%dma_start3A_15, %dma_start3A_16] : memref<10000x128xf32, #tpu.memory_space<hbm>> -> memref<10000x128xf32, #tpu.memory_space<hbm>>
      tpu.enqueue_indirect_dma source(%dma_start3A_17 : memref<10000x128xf32, #tpu.memory_space<hbm>>) target(%arg9 : memref<128x128xf32, #tpu.memory_space<vmem>>) offsets(%dma_start3A_14 : memref<128xi32, #tpu.memory_space<vmem>>) semaphore(%arg11 : memref<!tpu.dma_semaphore, #tpu.memory_space<semaphore_mem>>)
      %dma_wait3A = arith.constant 0 : i32
      %dma_wait3A_18 = tpu.memref_slice %arg7[%scan3A_12, %dma_wait3A] : memref<79x128xi32, #tpu.memory_space<vmem>> -> memref<1x128xi32, #tpu.memory_space<vmem>>
      %dma_wait3A_19 = tpu.memref_squeeze %dma_wait3A_18 : memref<1x128xi32, #tpu.memory_space<vmem>> -> memref<128xi32, #tpu.memory_space<vmem>>
      %dma_wait3A_20 = arith.constant 0 : i32
      %dma_wait3A_21 = arith.constant 0 : i32
      %dma_wait3A_22 = tpu.memref_slice %arg2[%dma_wait3A_20, %dma_wait3A_21] : memref<10000x128xf32, #tpu.memory_space<hbm>> -> memref<10000x128xf32, #tpu.memory_space<hbm>>
      tpu.wait_indirect_dma semaphore(%arg11 : memref<!tpu.dma_semaphore, #tpu.memory_space<semaphore_mem>>) src(%dma_wait3A_22 : memref<10000x128xf32, #tpu.memory_space<hbm>>) dst(%arg9 : memref<128x128xf32, #tpu.memory_space<vmem>>)
      "tpu.region"() ({
        %run_scoped3A = tpu.sem_alloc : memref<!tpu.dma_semaphore, #tpu.memory_space<semaphore_mem>>
        %dma_start3A_23 = arith.constant 0 : i32
        %dma_start3A_24 = tpu.memref_slice %arg8[%scan3A_12, %dma_start3A_23] : memref<79x128xi32, #tpu.memory_space<vmem>> -> memref<1x128xi32, #tpu.memory_space<vmem>>
        %dma_start3A_25 = tpu.memref_squeeze %dma_start3A_24 : memref<1x128xi32, #tpu.memory_space<vmem>> -> memref<128xi32, #tpu.memory_space<vmem>>
        %dma_start3A_26 = arith.constant 0 : i32
        %dma_start3A_27 = arith.constant 0 : i32
        %dma_start3A_28 = tpu.memref_slice %arg10[%dma_start3A_26, %dma_start3A_27] : memref<10240x128xf32, #tpu.memory_space<vmem_shared>> -> memref<10240x128xf32, #tpu.memory_space<vmem_shared>>
        tpu.enqueue_indirect_dma source(%arg9 : memref<128x128xf32, #tpu.memory_space<vmem>>) target(%dma_start3A_28 : memref<10240x128xf32, #tpu.memory_space<vmem_shared>>) offsets(%dma_start3A_25 : memref<128xi32, #tpu.memory_space<vmem>>) semaphore(%run_scoped3A : memref<!tpu.dma_semaphore, #tpu.memory_space<semaphore_mem>>) {add = true}
        %dma_wait3A_29 = arith.constant 0 : i32
        %dma_wait3A_30 = tpu.memref_slice %arg8[%scan3A_12, %dma_wait3A_29] : memref<79x128xi32, #tpu.memory_space<vmem>> -> memref<1x128xi32, #tpu.memory_space<vmem>>
        %dma_wait3A_31 = tpu.memref_squeeze %dma_wait3A_30 : memref<1x128xi32, #tpu.memory_space<vmem>> -> memref<128xi32, #tpu.memory_space<vmem>>
        %dma_wait3A_32 = arith.constant 0 : i32
        %dma_wait3A_33 = arith.constant 0 : i32
        %dma_wait3A_34 = tpu.memref_slice %arg10[%dma_wait3A_32, %dma_wait3A_33] : memref<10240x128xf32, #tpu.memory_space<vmem_shared>> -> memref<10240x128xf32, #tpu.memory_space<vmem_shared>>
        tpu.wait_indirect_dma semaphore(%run_scoped3A : memref<!tpu.dma_semaphore, #tpu.memory_space<semaphore_mem>>) src(%arg9 : memref<128x128xf32, #tpu.memory_space<vmem>>) dst(%dma_wait3A_34 : memref<10240x128xf32, #tpu.memory_space<vmem_shared>>)
        tpu.yield
      }) : () -> ()
    }
    %scan3A_7 = arith.constant 79 : i32
    %barrier3A_8 = arith.constant 0 : index
    tpu.barrier barrier_id(%barrier3A_8)
    %mul3A_9 = arith.constant 10240 : i32
    %mul3A_10 = arith.muli %arg0, %mul3A_9 : i32
    %add3A_11 = arith.addi %mul3A_10, %mul3A_2 : i32
    "tpu.region"() ({
      %run_scoped3A = tpu.sem_alloc : memref<!tpu.dma_semaphore, #tpu.memory_space<semaphore_mem>>
      %dma_start3A = arith.constant 0 : i32
      %dma_start3A_12 = tpu.memref_slice %arg6[%add3A_11, %dma_start3A] : memref<20480x128xf32, #tpu.memory_space<hbm>> -> memref<640x128xf32, #tpu.memory_space<hbm>>
      %dma_start3A_13 = arith.constant 0 : i32
      %dma_start3A_14 = tpu.memref_slice %arg10[%mul3A_2, %dma_start3A_13] : memref<10240x128xf32, #tpu.memory_space<vmem_shared>> -> memref<640x128xf32, #tpu.memory_space<vmem_shared>>
      tpu.enqueue_dma source(%dma_start3A_14 : memref<640x128xf32, #tpu.memory_space<vmem_shared>>) target(%dma_start3A_12 : memref<640x128xf32, #tpu.memory_space<hbm>>) target_semaphore(%run_scoped3A : memref<!tpu.dma_semaphore, #tpu.memory_space<semaphore_mem>>)
      %dma_wait3A = arith.constant 0 : i32
      %dma_wait3A_15 = tpu.memref_slice %arg6[%add3A_11, %dma_wait3A] : memref<20480x128xf32, #tpu.memory_space<hbm>> -> memref<640x128xf32, #tpu.memory_space<hbm>>
      %dma_wait3A_16 = arith.constant 0 : i32
      %dma_wait3A_17 = tpu.memref_slice %arg10[%mul3A_2, %dma_wait3A_16] : memref<10240x128xf32, #tpu.memory_space<vmem_shared>> -> memref<640x128xf32, #tpu.memory_space<vmem_shared>>
      tpu.wait_dma2 semaphore(%run_scoped3A : memref<!tpu.dma_semaphore, #tpu.memory_space<semaphore_mem>>) src(%dma_wait3A_17 : memref<640x128xf32, #tpu.memory_space<vmem_shared>>) dst(%dma_wait3A_15 : memref<640x128xf32, #tpu.memory_space<hbm>>)
      tpu.yield
    }) : () -> ()
    return
  }
}

#map = affine_map<(d0, d1) -> (0, 0)>
#map1 = affine_map<(d0, d1) -> (0, 0, 0)>
module attributes {stable_mosaic.version = 14 : i64} {
  func.func @_sc_agg_body(%arg0: i32, %arg1: i32, %arg2: memref<10000x128xf32, #tpu.memory_space<hbm>>, %arg3: memref<32x79x128xi32, #tpu.memory_space<hbm>>, %arg4: memref<32x79x128xi32, #tpu.memory_space<hbm>>, %arg5: memref<640x128xf32, #tpu.memory_space<hbm>>, %arg6: memref<20480x128xf32, #tpu.memory_space<hbm>>, %arg7: memref<79x128xi32, #tpu.memory_space<vmem>>, %arg8: memref<79x128xi32, #tpu.memory_space<vmem>>, %arg9: memref<128x128xf32, #tpu.memory_space<vmem>>, %arg10: memref<10240x128xf32, #tpu.memory_space<vmem_shared>>, %arg11: memref<!tpu.dma_semaphore, #tpu.memory_space<semaphore_mem>>) attributes {dimension_semantics = [#tpu.dimension_semantics<core_parallel>, #tpu.dimension_semantics<subcore_parallel>], iteration_bounds = array<i64: 2, 16>, scalar_prefetch = 0 : i64, scratch_operands = 5 : i64, tpu.core_type = #tpu.core_type<sc_vector_subcore>, window_params = [{transform_indices = #map}, {transform_indices = #map1}, {transform_indices = #map1}, {transform_indices = #map}, {transform_indices = #map}]} {
    %mul3A = arith.constant 16 : i32
    %mul3A_0 = arith.muli %arg0, %mul3A : i32
    %add3A = arith.addi %mul3A_0, %arg1 : i32
    %mul3A_1 = arith.constant 640 : i32
    %mul3A_2 = arith.muli %arg1, %mul3A_1 : i32
    "tpu.region"() ({
      %run_scoped3A = tpu.sem_alloc : memref<!tpu.dma_semaphore, #tpu.memory_space<semaphore_mem>>
      %dma_start3A = arith.constant 0 : i32
      %dma_start3A_12 = tpu.memref_slice %arg10[%mul3A_2, %dma_start3A] : memref<10240x128xf32, #tpu.memory_space<vmem_shared>> -> memref<640x128xf32, #tpu.memory_space<vmem_shared>>
      tpu.enqueue_dma source(%arg5 : memref<640x128xf32, #tpu.memory_space<hbm>>) target(%dma_start3A_12 : memref<640x128xf32, #tpu.memory_space<vmem_shared>>) target_semaphore(%run_scoped3A : memref<!tpu.dma_semaphore, #tpu.memory_space<semaphore_mem>>)
      %dma_wait3A = arith.constant 0 : i32
      %dma_wait3A_13 = tpu.memref_slice %arg10[%mul3A_2, %dma_wait3A] : memref<10240x128xf32, #tpu.memory_space<vmem_shared>> -> memref<640x128xf32, #tpu.memory_space<vmem_shared>>
      tpu.wait_dma2 semaphore(%run_scoped3A : memref<!tpu.dma_semaphore, #tpu.memory_space<semaphore_mem>>) src(%arg5 : memref<640x128xf32, #tpu.memory_space<hbm>>) dst(%dma_wait3A_13 : memref<640x128xf32, #tpu.memory_space<vmem_shared>>)
      tpu.yield
    }) : () -> ()
    "tpu.region"() ({
      %run_scoped3A = tpu.sem_alloc : memref<!tpu.dma_semaphore, #tpu.memory_space<semaphore_mem>>
      %dma_start3A = arith.constant 0 : i32
      %dma_start3A_12 = arith.constant 0 : i32
      %dma_start3A_13 = tpu.memref_slice %arg3[%add3A, %dma_start3A, %dma_start3A_12] : memref<32x79x128xi32, #tpu.memory_space<hbm>> -> memref<1x79x128xi32, #tpu.memory_space<hbm>>
      %dma_start3A_14 = tpu.memref_squeeze %dma_start3A_13 : memref<1x79x128xi32, #tpu.memory_space<hbm>> -> memref<79x128xi32, #tpu.memory_space<hbm>>
      %dma_start3A_15 = arith.constant 0 : i32
      %dma_start3A_16 = arith.constant 0 : i32
      %dma_start3A_17 = tpu.memref_slice %arg3[%add3A, %dma_start3A_15, %dma_start3A_16] : memref<32x79x128xi32, #tpu.memory_space<hbm>> -> memref<1x79x128xi32, #tpu.memory_space<hbm>>
      %dma_start3A_18 = tpu.memref_squeeze %dma_start3A_17 : memref<1x79x128xi32, #tpu.memory_space<hbm>> -> memref<79x128xi32, #tpu.memory_space<hbm>>
      tpu.enqueue_dma source(%dma_start3A_18 : memref<79x128xi32, #tpu.memory_space<hbm>>) target(%arg7 : memref<79x128xi32, #tpu.memory_space<vmem>>) target_semaphore(%run_scoped3A : memref<!tpu.dma_semaphore, #tpu.memory_space<semaphore_mem>>)
      %dma_wait3A = arith.constant 0 : i32
      %dma_wait3A_19 = arith.constant 0 : i32
      %dma_wait3A_20 = tpu.memref_slice %arg3[%add3A, %dma_wait3A, %dma_wait3A_19] : memref<32x79x128xi32, #tpu.memory_space<hbm>> -> memref<1x79x128xi32, #tpu.memory_space<hbm>>
      %dma_wait3A_21 = tpu.memref_squeeze %dma_wait3A_20 : memref<1x79x128xi32, #tpu.memory_space<hbm>> -> memref<79x128xi32, #tpu.memory_space<hbm>>
      %dma_wait3A_22 = arith.constant 0 : i32
      %dma_wait3A_23 = arith.constant 0 : i32
      %dma_wait3A_24 = tpu.memref_slice %arg3[%add3A, %dma_wait3A_22, %dma_wait3A_23] : memref<32x79x128xi32, #tpu.memory_space<hbm>> -> memref<1x79x128xi32, #tpu.memory_space<hbm>>
      %dma_wait3A_25 = tpu.memref_squeeze %dma_wait3A_24 : memref<1x79x128xi32, #tpu.memory_space<hbm>> -> memref<79x128xi32, #tpu.memory_space<hbm>>
      tpu.wait_dma2 semaphore(%run_scoped3A : memref<!tpu.dma_semaphore, #tpu.memory_space<semaphore_mem>>) src(%dma_wait3A_25 : memref<79x128xi32, #tpu.memory_space<hbm>>) dst(%arg7 : memref<79x128xi32, #tpu.memory_space<vmem>>)
      tpu.yield
    }) : () -> ()
    "tpu.region"() ({
      %run_scoped3A = tpu.sem_alloc : memref<!tpu.dma_semaphore, #tpu.memory_space<semaphore_mem>>
      %dma_start3A = arith.constant 0 : i32
      %dma_start3A_12 = arith.constant 0 : i32
      %dma_start3A_13 = tpu.memref_slice %arg4[%add3A, %dma_start3A, %dma_start3A_12] : memref<32x79x128xi32, #tpu.memory_space<hbm>> -> memref<1x79x128xi32, #tpu.memory_space<hbm>>
      %dma_start3A_14 = tpu.memref_squeeze %dma_start3A_13 : memref<1x79x128xi32, #tpu.memory_space<hbm>> -> memref<79x128xi32, #tpu.memory_space<hbm>>
      %dma_start3A_15 = arith.constant 0 : i32
      %dma_start3A_16 = arith.constant 0 : i32
      %dma_start3A_17 = tpu.memref_slice %arg4[%add3A, %dma_start3A_15, %dma_start3A_16] : memref<32x79x128xi32, #tpu.memory_space<hbm>> -> memref<1x79x128xi32, #tpu.memory_space<hbm>>
      %dma_start3A_18 = tpu.memref_squeeze %dma_start3A_17 : memref<1x79x128xi32, #tpu.memory_space<hbm>> -> memref<79x128xi32, #tpu.memory_space<hbm>>
      tpu.enqueue_dma source(%dma_start3A_18 : memref<79x128xi32, #tpu.memory_space<hbm>>) target(%arg8 : memref<79x128xi32, #tpu.memory_space<vmem>>) target_semaphore(%run_scoped3A : memref<!tpu.dma_semaphore, #tpu.memory_space<semaphore_mem>>)
      %dma_wait3A = arith.constant 0 : i32
      %dma_wait3A_19 = arith.constant 0 : i32
      %dma_wait3A_20 = tpu.memref_slice %arg4[%add3A, %dma_wait3A, %dma_wait3A_19] : memref<32x79x128xi32, #tpu.memory_space<hbm>> -> memref<1x79x128xi32, #tpu.memory_space<hbm>>
      %dma_wait3A_21 = tpu.memref_squeeze %dma_wait3A_20 : memref<1x79x128xi32, #tpu.memory_space<hbm>> -> memref<79x128xi32, #tpu.memory_space<hbm>>
      %dma_wait3A_22 = arith.constant 0 : i32
      %dma_wait3A_23 = arith.constant 0 : i32
      %dma_wait3A_24 = tpu.memref_slice %arg4[%add3A, %dma_wait3A_22, %dma_wait3A_23] : memref<32x79x128xi32, #tpu.memory_space<hbm>> -> memref<1x79x128xi32, #tpu.memory_space<hbm>>
      %dma_wait3A_25 = tpu.memref_squeeze %dma_wait3A_24 : memref<1x79x128xi32, #tpu.memory_space<hbm>> -> memref<79x128xi32, #tpu.memory_space<hbm>>
      tpu.wait_dma2 semaphore(%run_scoped3A : memref<!tpu.dma_semaphore, #tpu.memory_space<semaphore_mem>>) src(%dma_wait3A_25 : memref<79x128xi32, #tpu.memory_space<hbm>>) dst(%arg8 : memref<79x128xi32, #tpu.memory_space<vmem>>)
      tpu.yield
    }) : () -> ()
    %barrier3A = arith.constant 0 : index
    tpu.barrier barrier_id(%barrier3A)
    %scan3A = arith.constant 0 : i32
    %scan3A_3 = arith.constant 0 : i32
    %scan3A_4 = arith.constant 79 : i32
    %scan3A_5 = arith.addi %scan3A_3, %scan3A_4 : i32
    %scan3A_6 = arith.constant 1 : i32
    scf.for %scan3A_12 = %scan3A_3 to %scan3A_5 step %scan3A_6  : i32 {
      %dma_start3A = arith.constant 0 : i32
      %dma_start3A_13 = tpu.memref_slice %arg7[%scan3A_12, %dma_start3A] : memref<79x128xi32, #tpu.memory_space<vmem>> -> memref<1x128xi32, #tpu.memory_space<vmem>>
      %dma_start3A_14 = tpu.memref_squeeze %dma_start3A_13 : memref<1x128xi32, #tpu.memory_space<vmem>> -> memref<128xi32, #tpu.memory_space<vmem>>
      %dma_start3A_15 = arith.constant 0 : i32
      %dma_start3A_16 = arith.constant 0 : i32
      %dma_start3A_17 = tpu.memref_slice %arg2[%dma_start3A_15, %dma_start3A_16] : memref<10000x128xf32, #tpu.memory_space<hbm>> -> memref<10000x128xf32, #tpu.memory_space<hbm>>
      tpu.enqueue_indirect_dma source(%dma_start3A_17 : memref<10000x128xf32, #tpu.memory_space<hbm>>) target(%arg9 : memref<128x128xf32, #tpu.memory_space<vmem>>) offsets(%dma_start3A_14 : memref<128xi32, #tpu.memory_space<vmem>>) semaphore(%arg11 : memref<!tpu.dma_semaphore, #tpu.memory_space<semaphore_mem>>)
      %dma_wait3A = arith.constant 0 : i32
      %dma_wait3A_18 = tpu.memref_slice %arg7[%scan3A_12, %dma_wait3A] : memref<79x128xi32, #tpu.memory_space<vmem>> -> memref<1x128xi32, #tpu.memory_space<vmem>>
      %dma_wait3A_19 = tpu.memref_squeeze %dma_wait3A_18 : memref<1x128xi32, #tpu.memory_space<vmem>> -> memref<128xi32, #tpu.memory_space<vmem>>
      %dma_wait3A_20 = arith.constant 0 : i32
      %dma_wait3A_21 = arith.constant 0 : i32
      %dma_wait3A_22 = tpu.memref_slice %arg2[%dma_wait3A_20, %dma_wait3A_21] : memref<10000x128xf32, #tpu.memory_space<hbm>> -> memref<10000x128xf32, #tpu.memory_space<hbm>>
      tpu.wait_indirect_dma semaphore(%arg11 : memref<!tpu.dma_semaphore, #tpu.memory_space<semaphore_mem>>) src(%dma_wait3A_22 : memref<10000x128xf32, #tpu.memory_space<hbm>>) dst(%arg9 : memref<128x128xf32, #tpu.memory_space<vmem>>)
      "tpu.region"() ({
        %run_scoped3A = tpu.sem_alloc : memref<!tpu.dma_semaphore, #tpu.memory_space<semaphore_mem>>
        %dma_start3A_23 = arith.constant 0 : i32
        %dma_start3A_24 = tpu.memref_slice %arg8[%scan3A_12, %dma_start3A_23] : memref<79x128xi32, #tpu.memory_space<vmem>> -> memref<1x128xi32, #tpu.memory_space<vmem>>
        %dma_start3A_25 = tpu.memref_squeeze %dma_start3A_24 : memref<1x128xi32, #tpu.memory_space<vmem>> -> memref<128xi32, #tpu.memory_space<vmem>>
        %dma_start3A_26 = arith.constant 0 : i32
        %dma_start3A_27 = arith.constant 0 : i32
        %dma_start3A_28 = tpu.memref_slice %arg10[%dma_start3A_26, %dma_start3A_27] : memref<10240x128xf32, #tpu.memory_space<vmem_shared>> -> memref<10240x128xf32, #tpu.memory_space<vmem_shared>>
        tpu.enqueue_indirect_dma source(%arg9 : memref<128x128xf32, #tpu.memory_space<vmem>>) target(%dma_start3A_28 : memref<10240x128xf32, #tpu.memory_space<vmem_shared>>) offsets(%dma_start3A_25 : memref<128xi32, #tpu.memory_space<vmem>>) semaphore(%run_scoped3A : memref<!tpu.dma_semaphore, #tpu.memory_space<semaphore_mem>>) {add = true}
        %dma_wait3A_29 = arith.constant 0 : i32
        %dma_wait3A_30 = tpu.memref_slice %arg8[%scan3A_12, %dma_wait3A_29] : memref<79x128xi32, #tpu.memory_space<vmem>> -> memref<1x128xi32, #tpu.memory_space<vmem>>
        %dma_wait3A_31 = tpu.memref_squeeze %dma_wait3A_30 : memref<1x128xi32, #tpu.memory_space<vmem>> -> memref<128xi32, #tpu.memory_space<vmem>>
        %dma_wait3A_32 = arith.constant 0 : i32
        %dma_wait3A_33 = arith.constant 0 : i32
        %dma_wait3A_34 = tpu.memref_slice %arg10[%dma_wait3A_32, %dma_wait3A_33] : memref<10240x128xf32, #tpu.memory_space<vmem_shared>> -> memref<10240x128xf32, #tpu.memory_space<vmem_shared>>
        tpu.wait_indirect_dma semaphore(%run_scoped3A : memref<!tpu.dma_semaphore, #tpu.memory_space<semaphore_mem>>) src(%arg9 : memref<128x128xf32, #tpu.memory_space<vmem>>) dst(%dma_wait3A_34 : memref<10240x128xf32, #tpu.memory_space<vmem_shared>>)
        tpu.yield
      }) : () -> ()
    }
    %scan3A_7 = arith.constant 79 : i32
    %barrier3A_8 = arith.constant 0 : index
    tpu.barrier barrier_id(%barrier3A_8)
    %mul3A_9 = arith.constant 10240 : i32
    %mul3A_10 = arith.muli %arg0, %mul3A_9 : i32
    %add3A_11 = arith.addi %mul3A_10, %mul3A_2 : i32
    "tpu.region"() ({
      %run_scoped3A = tpu.sem_alloc : memref<!tpu.dma_semaphore, #tpu.memory_space<semaphore_mem>>
      %dma_start3A = arith.constant 0 : i32
      %dma_start3A_12 = tpu.memref_slice %arg6[%add3A_11, %dma_start3A] : memref<20480x128xf32, #tpu.memory_space<hbm>> -> memref<640x128xf32, #tpu.memory_space<hbm>>
      %dma_start3A_13 = arith.constant 0 : i32
      %dma_start3A_14 = tpu.memref_slice %arg10[%mul3A_2, %dma_start3A_13] : memref<10240x128xf32, #tpu.memory_space<vmem_shared>> -> memref<640x128xf32, #tpu.memory_space<vmem_shared>>
      tpu.enqueue_dma source(%dma_start3A_14 : memref<640x128xf32, #tpu.memory_space<vmem_shared>>) target(%dma_start3A_12 : memref<640x128xf32, #tpu.memory_space<hbm>>) target_semaphore(%run_scoped3A : memref<!tpu.dma_semaphore, #tpu.memory_space<semaphore_mem>>)
      %dma_wait3A = arith.constant 0 : i32
      %dma_wait3A_15 = tpu.memref_slice %arg6[%add3A_11, %dma_wait3A] : memref<20480x128xf32, #tpu.memory_space<hbm>> -> memref<640x128xf32, #tpu.memory_space<hbm>>
      %dma_wait3A_16 = arith.constant 0 : i32
      %dma_wait3A_17 = tpu.memref_slice %arg10[%mul3A_2, %dma_wait3A_16] : memref<10240x128xf32, #tpu.memory_space<vmem_shared>> -> memref<640x128xf32, #tpu.memory_space<vmem_shared>>
      tpu.wait_dma2 semaphore(%run_scoped3A : memref<!tpu.dma_semaphore, #tpu.memory_space<semaphore_mem>>) src(%dma_wait3A_17 : memref<640x128xf32, #tpu.memory_space<vmem_shared>>) dst(%dma_wait3A_15 : memref<640x128xf32, #tpu.memory_space<hbm>>)
      tpu.yield
    }) : () -> ()
    return
  }
}

module attributes {stable_mosaic.version = 14 : i64} {
  func.func @_tc0_body(%arg0: memref<10000x128xf32, #tpu.memory_space<vmem>>, %arg1: memref<10000x1xi32, #tpu.memory_space<vmem>>, %arg2: memref<1x10000xi32, #tpu.memory_space<vmem>>, %arg3: memref<128x128xf32, #tpu.memory_space<vmem>>, %arg4: memref<1x128xf32, #tpu.memory_space<vmem>>, %arg5: memref<1x128xf32, #tpu.memory_space<vmem>>, %arg6: memref<1x128xf32, #tpu.memory_space<vmem>>, %arg7: memref<1x128xf32, #tpu.memory_space<vmem>>, %arg8: memref<128x128xf32, #tpu.memory_space<vmem>>, %arg9: memref<1x128xf32, #tpu.memory_space<vmem>>, %arg10: memref<128x128xf32, #tpu.memory_space<vmem>>, %arg11: memref<1x128xf32, #tpu.memory_space<vmem>>, %arg12: memref<10000x128xf32, #tpu.memory_space<vmem>>, %arg13: memref<128x128xf32, #tpu.memory_space<vmem>>) attributes {dimension_semantics = [], scalar_prefetch = 0 : i64, scratch_operands = 0 : i64, tpu.core_type = #tpu.core_type<tc>} {
    %get3A = arith.constant 0 : index
    %get3A_0 = arith.constant 0 : index
    %get3A_1 = vector.load %arg0[%get3A, %get3A_0] : memref<10000x128xf32, #tpu.memory_space<vmem>>, vector<10000x128xf32>
    %get3A_2 = arith.constant 0 : index
    %get3A_3 = arith.constant 0 : index
    %get3A_4 = vector.load %arg3[%get3A_2, %get3A_3] : memref<128x128xf32, #tpu.memory_space<vmem>>, vector<128x128xf32>
    %dot_general3A = arith.constant dense<0.000000e+00> : vector<10000x128xf32>
    %dot_general3A_5 = tpu.matmul %get3A_1, %get3A_4, %dot_general3A {dimension_numbers = #tpu.dot_dimension_numbers<[1], [0], [0], [1], [0, 0, 1, 1], [], []>, transpose_lhs_hint = false} : vector<10000x128xf32>, vector<128x128xf32>, vector<10000x128xf32> -> vector<10000x128xf32>
    %get3A_6 = arith.constant 0 : index
    %get3A_7 = arith.constant 0 : index
    %get3A_8 = vector.load %arg4[%get3A_6, %get3A_7] : memref<1x128xf32, #tpu.memory_space<vmem>>, vector<1x128xf32>
    %add3A = vector.broadcast %get3A_8 : vector<1x128xf32> to vector<10000x128xf32>
    %add3A_9 = arith.addf %dot_general3A_5, %add3A : vector<10000x128xf32>
    %max3A = arith.constant 0.000000e+00 : f32
    %max3A_10 = vector.broadcast %max3A : f32 to vector<10000x128xf32>
    %max3A_11 = arith.maximumf %add3A_9, %max3A_10 : vector<10000x128xf32>
    %get3A_12 = arith.constant 0 : index
    %get3A_13 = arith.constant 0 : index
    %get3A_14 = vector.load %arg5[%get3A_12, %get3A_13] : memref<1x128xf32, #tpu.memory_space<vmem>>, vector<1x128xf32>
    %mul3A = arith.constant 0.999994993 : f32
    %mul3A_15 = vector.broadcast %mul3A : f32 to vector<1x128xf32>
    %mul3A_16 = arith.mulf %mul3A_15, %get3A_14 : vector<1x128xf32>
    %mul3A_17 = vector.broadcast %mul3A_16 : vector<1x128xf32> to vector<10000x128xf32>
    %mul3A_18 = arith.mulf %max3A_11, %mul3A_17 : vector<10000x128xf32>
    %get3A_19 = arith.constant 0 : index
    %get3A_20 = arith.constant 0 : index
    %get3A_21 = vector.load %arg6[%get3A_19, %get3A_20] : memref<1x128xf32, #tpu.memory_space<vmem>>, vector<1x128xf32>
    %add3A_22 = vector.broadcast %get3A_21 : vector<1x128xf32> to vector<10000x128xf32>
    %add3A_23 = arith.addf %mul3A_18, %add3A_22 : vector<10000x128xf32>
    %get3A_24 = arith.constant 0 : index
    %get3A_25 = arith.constant 0 : index
    %get3A_26 = vector.load %arg1[%get3A_24, %get3A_25] : memref<10000x1xi32, #tpu.memory_space<vmem>>, vector<10000x1xi32>
    %get3A_27 = arith.constant 0 : index
    %get3A_28 = arith.constant 0 : index
    %get3A_29 = vector.load %arg2[%get3A_27, %get3A_28] : memref<1x10000xi32, #tpu.memory_space<vmem>>, vector<1x10000xi32>
    %iota3A = tpu.iota {dimensions = array<i32: 1>} : vector<10000x128xi32>
    %iota3A_30 = tpu.iota {dimensions = array<i32: 0>} : vector<128x10000xi32>
    %eq3A = vector.broadcast %get3A_26 : vector<10000x1xi32> to vector<10000x128xi32>
    %eq3A_31 = arith.cmpi eq, %eq3A, %iota3A : vector<10000x128xi32>
    %convert_element_type3A = arith.extui %eq3A_31 : vector<10000x128xi1> to vector<10000x128xi32>
    %convert_element_type3A_32 = arith.sitofp %convert_element_type3A : vector<10000x128xi32> to vector<10000x128xf32>
    %eq3A_33 = vector.broadcast %get3A_29 : vector<1x10000xi32> to vector<128x10000xi32>
    %eq3A_34 = arith.cmpi eq, %eq3A_33, %iota3A_30 : vector<128x10000xi32>
    %convert_element_type3A_35 = arith.extui %eq3A_34 : vector<128x10000xi1> to vector<128x10000xi32>
    %convert_element_type3A_36 = arith.sitofp %convert_element_type3A_35 : vector<128x10000xi32> to vector<128x10000xf32>
    %dot_general3A_37 = arith.constant dense<0.000000e+00> : vector<128x128xf32>
    %dot_general3A_38 = tpu.matmul %convert_element_type3A_36, %add3A_23, %dot_general3A_37 {dimension_numbers = #tpu.dot_dimension_numbers<[1], [0], [0], [1], [0, 0, 1, 1], [], []>, transpose_lhs_hint = false} : vector<128x10000xf32>, vector<10000x128xf32>, vector<128x128xf32> -> vector<128x128xf32>
    %get3A_39 = arith.constant 0 : index
    %get3A_40 = arith.constant 0 : index
    %get3A_41 = vector.load %arg7[%get3A_39, %get3A_40] : memref<1x128xf32, #tpu.memory_space<vmem>>, vector<1x128xf32>
    %add3A_42 = vector.broadcast %get3A_41 : vector<1x128xf32> to vector<128x128xf32>
    %add3A_43 = arith.addf %dot_general3A_38, %add3A_42 : vector<128x128xf32>
    %get3A_44 = arith.constant 0 : index
    %get3A_45 = arith.constant 0 : index
    %get3A_46 = vector.load %arg8[%get3A_44, %get3A_45] : memref<128x128xf32, #tpu.memory_space<vmem>>, vector<128x128xf32>
    %get3A_47 = arith.constant 0 : index
    %get3A_48 = arith.constant 0 : index
    %get3A_49 = vector.load %arg9[%get3A_47, %get3A_48] : memref<1x128xf32, #tpu.memory_space<vmem>>, vector<1x128xf32>
    %get3A_50 = arith.constant 0 : index
    %get3A_51 = arith.constant 0 : index
    %get3A_52 = vector.load %arg10[%get3A_50, %get3A_51] : memref<128x128xf32, #tpu.memory_space<vmem>>, vector<128x128xf32>
    %get3A_53 = arith.constant 0 : index
    %get3A_54 = arith.constant 0 : index
    %get3A_55 = vector.load %arg11[%get3A_53, %get3A_54] : memref<1x128xf32, #tpu.memory_space<vmem>>, vector<1x128xf32>
    %dot_general3A_56 = arith.constant dense<0.000000e+00> : vector<128x128xf32>
    %dot_general3A_57 = tpu.matmul %add3A_43, %get3A_46, %dot_general3A_56 {dimension_numbers = #tpu.dot_dimension_numbers<[1], [0], [0], [1], [0, 0, 1, 1], [], []>, transpose_lhs_hint = false} : vector<128x128xf32>, vector<128x128xf32>, vector<128x128xf32> -> vector<128x128xf32>
    %add3A_58 = vector.broadcast %get3A_49 : vector<1x128xf32> to vector<128x128xf32>
    %add3A_59 = arith.addf %dot_general3A_57, %add3A_58 : vector<128x128xf32>
    %max3A_60 = arith.constant 0.000000e+00 : f32
    %max3A_61 = vector.broadcast %max3A_60 : f32 to vector<128x128xf32>
    %max3A_62 = arith.maximumf %add3A_59, %max3A_61 : vector<128x128xf32>
    %dot_general3A_63 = arith.constant dense<0.000000e+00> : vector<128x128xf32>
    %dot_general3A_64 = tpu.matmul %max3A_62, %get3A_52, %dot_general3A_63 {dimension_numbers = #tpu.dot_dimension_numbers<[1], [0], [0], [1], [0, 0, 1, 1], [], []>, transpose_lhs_hint = false} : vector<128x128xf32>, vector<128x128xf32>, vector<128x128xf32> -> vector<128x128xf32>
    %add3A_65 = vector.broadcast %get3A_55 : vector<1x128xf32> to vector<128x128xf32>
    %add3A_66 = arith.addf %dot_general3A_64, %add3A_65 : vector<128x128xf32>
    %dot_general3A_67 = arith.constant dense<0.000000e+00> : vector<10000x128xf32>
    %dot_general3A_68 = tpu.matmul %convert_element_type3A_32, %add3A_66, %dot_general3A_67 {dimension_numbers = #tpu.dot_dimension_numbers<[1], [0], [0], [1], [0, 0, 1, 1], [], []>, transpose_lhs_hint = false} : vector<10000x128xf32>, vector<128x128xf32>, vector<10000x128xf32> -> vector<10000x128xf32>
    %add3A_69 = arith.addf %add3A_23, %dot_general3A_68 : vector<10000x128xf32>
    %swap3A = arith.constant 0 : index
    %swap3A_70 = arith.constant 0 : index
    %swap3A_71 = vector.load %arg12[%swap3A, %swap3A_70] : memref<10000x128xf32, #tpu.memory_space<vmem>>, vector<10000x128xf32>
    tpu.vector_store %arg12[%swap3A, %swap3A_70], %add3A_69 {strides = array<i32>} : memref<10000x128xf32, #tpu.memory_space<vmem>>, vector<10000x128xf32>,
    %swap3A_72 = arith.constant 0 : index
    %swap3A_73 = arith.constant 0 : index
    %swap3A_74 = vector.load %arg13[%swap3A_72, %swap3A_73] : memref<128x128xf32, #tpu.memory_space<vmem>>, vector<128x128xf32>
    tpu.vector_store %arg13[%swap3A_72, %swap3A_73], %add3A_66 {strides = array<i32>} : memref<128x128xf32, #tpu.memory_space<vmem>>, vector<128x128xf32>,
    return
  }
}

module attributes {stable_mosaic.version = 14 : i64} {
  func.func @_tc_mid_body(%arg0: memref<10000x128xf32, #tpu.memory_space<vmem>>, %arg1: memref<20480x128xf32, #tpu.memory_space<vmem>>, %arg2: memref<10000x1xi32, #tpu.memory_space<vmem>>, %arg3: memref<1x10000xi32, #tpu.memory_space<vmem>>, %arg4: memref<1x1xf32, #tpu.memory_space<vmem>>, %arg5: memref<128x128xf32, #tpu.memory_space<vmem>>, %arg6: memref<1x128xf32, #tpu.memory_space<vmem>>, %arg7: memref<128x128xf32, #tpu.memory_space<vmem>>, %arg8: memref<1x128xf32, #tpu.memory_space<vmem>>, %arg9: memref<1x128xf32, #tpu.memory_space<vmem>>, %arg10: memref<1x128xf32, #tpu.memory_space<vmem>>, %arg11: memref<128x128xf32, #tpu.memory_space<vmem>>, %arg12: memref<128x128xf32, #tpu.memory_space<vmem>>, %arg13: memref<1x128xf32, #tpu.memory_space<vmem>>, %arg14: memref<128x128xf32, #tpu.memory_space<vmem>>, %arg15: memref<1x128xf32, #tpu.memory_space<vmem>>, %arg16: memref<10000x128xf32, #tpu.memory_space<vmem>>, %arg17: memref<128x128xf32, #tpu.memory_space<vmem>>) attributes {dimension_semantics = [], scalar_prefetch = 0 : i64, scratch_operands = 0 : i64, tpu.core_type = #tpu.core_type<tc>} {
    %get3A = arith.constant 0 : index
    %get3A_0 = arith.constant 0 : index
    %get3A_1 = vector.load %arg0[%get3A, %get3A_0] : memref<10000x128xf32, #tpu.memory_space<vmem>>, vector<10000x128xf32>
    %get3A_2 = arith.constant 0 : index
    %get3A_3 = arith.constant 0 : index
    %get3A_4 = vector.load %arg1[%get3A_2, %get3A_3] : memref<20480x128xf32, #tpu.memory_space<vmem>>, vector<10000x128xf32>
    %get3A_5 = arith.constant 10240 : index
    %get3A_6 = arith.constant 0 : index
    %get3A_7 = vector.load %arg1[%get3A_5, %get3A_6] : memref<20480x128xf32, #tpu.memory_space<vmem>>, vector<10000x128xf32>
    %add3A = arith.addf %get3A_4, %get3A_7 : vector<10000x128xf32>
    %get3A_8 = arith.constant 0 : index
    %get3A_9 = arith.constant 0 : index
    %get3A_10 = vector.load %arg4[%get3A_8, %get3A_9] : memref<1x1xf32, #tpu.memory_space<vmem>>, vector<1x1xf32>
    %get3A_11 = vector.extract %get3A_10[0, 0] : f32 from vector<1x1xf32>
    %add3A_12 = arith.constant 1.000000e+00 : f32
    %add3A_13 = arith.addf %add3A_12, %get3A_11 : f32
    %mul3A = vector.broadcast %add3A_13 : f32 to vector<10000x128xf32>
    %mul3A_14 = arith.mulf %mul3A, %get3A_1 : vector<10000x128xf32>
    %add3A_15 = arith.addf %mul3A_14, %add3A : vector<10000x128xf32>
    %get3A_16 = arith.constant 0 : index
    %get3A_17 = arith.constant 0 : index
    %get3A_18 = vector.load %arg5[%get3A_16, %get3A_17] : memref<128x128xf32, #tpu.memory_space<vmem>>, vector<128x128xf32>
    %dot_general3A = arith.constant dense<0.000000e+00> : vector<10000x128xf32>
    %dot_general3A_19 = tpu.matmul %add3A_15, %get3A_18, %dot_general3A {dimension_numbers = #tpu.dot_dimension_numbers<[1], [0], [0], [1], [0, 0, 1, 1], [], []>, transpose_lhs_hint = false} : vector<10000x128xf32>, vector<128x128xf32>, vector<10000x128xf32> -> vector<10000x128xf32>
    %get3A_20 = arith.constant 0 : index
    %get3A_21 = arith.constant 0 : index
    %get3A_22 = vector.load %arg6[%get3A_20, %get3A_21] : memref<1x128xf32, #tpu.memory_space<vmem>>, vector<1x128xf32>
    %add3A_23 = vector.broadcast %get3A_22 : vector<1x128xf32> to vector<10000x128xf32>
    %add3A_24 = arith.addf %dot_general3A_19, %add3A_23 : vector<10000x128xf32>
    %max3A = arith.constant 0.000000e+00 : f32
    %max3A_25 = vector.broadcast %max3A : f32 to vector<10000x128xf32>
    %max3A_26 = arith.maximumf %add3A_24, %max3A_25 : vector<10000x128xf32>
    %get3A_27 = arith.constant 0 : index
    %get3A_28 = arith.constant 0 : index
    %get3A_29 = vector.load %arg7[%get3A_27, %get3A_28] : memref<128x128xf32, #tpu.memory_space<vmem>>, vector<128x128xf32>
    %dot_general3A_30 = arith.constant dense<0.000000e+00> : vector<10000x128xf32>
    %dot_general3A_31 = tpu.matmul %max3A_26, %get3A_29, %dot_general3A_30 {dimension_numbers = #tpu.dot_dimension_numbers<[1], [0], [0], [1], [0, 0, 1, 1], [], []>, transpose_lhs_hint = false} : vector<10000x128xf32>, vector<128x128xf32>, vector<10000x128xf32> -> vector<10000x128xf32>
    %get3A_32 = arith.constant 0 : index
    %get3A_33 = arith.constant 0 : index
    %get3A_34 = vector.load %arg8[%get3A_32, %get3A_33] : memref<1x128xf32, #tpu.memory_space<vmem>>, vector<1x128xf32>
    %add3A_35 = vector.broadcast %get3A_34 : vector<1x128xf32> to vector<10000x128xf32>
    %add3A_36 = arith.addf %dot_general3A_31, %add3A_35 : vector<10000x128xf32>
    %get3A_37 = arith.constant 0 : index
    %get3A_38 = arith.constant 0 : index
    %get3A_39 = vector.load %arg9[%get3A_37, %get3A_38] : memref<1x128xf32, #tpu.memory_space<vmem>>, vector<1x128xf32>
    %mul3A_40 = arith.constant 0.999994993 : f32
    %mul3A_41 = vector.broadcast %mul3A_40 : f32 to vector<1x128xf32>
    %mul3A_42 = arith.mulf %mul3A_41, %get3A_39 : vector<1x128xf32>
    %mul3A_43 = vector.broadcast %mul3A_42 : vector<1x128xf32> to vector<10000x128xf32>
    %mul3A_44 = arith.mulf %add3A_36, %mul3A_43 : vector<10000x128xf32>
    %get3A_45 = arith.constant 0 : index
    %get3A_46 = arith.constant 0 : index
    %get3A_47 = vector.load %arg10[%get3A_45, %get3A_46] : memref<1x128xf32, #tpu.memory_space<vmem>>, vector<1x128xf32>
    %add3A_48 = vector.broadcast %get3A_47 : vector<1x128xf32> to vector<10000x128xf32>
    %add3A_49 = arith.addf %mul3A_44, %add3A_48 : vector<10000x128xf32>
    %max3A_50 = arith.constant 0.000000e+00 : f32
    %max3A_51 = vector.broadcast %max3A_50 : f32 to vector<10000x128xf32>
    %max3A_52 = arith.maximumf %add3A_49, %max3A_51 : vector<10000x128xf32>
    %get3A_53 = arith.constant 0 : index
    %get3A_54 = arith.constant 0 : index
    %get3A_55 = vector.load %arg2[%get3A_53, %get3A_54] : memref<10000x1xi32, #tpu.memory_space<vmem>>, vector<10000x1xi32>
    %get3A_56 = arith.constant 0 : index
    %get3A_57 = arith.constant 0 : index
    %get3A_58 = vector.load %arg3[%get3A_56, %get3A_57] : memref<1x10000xi32, #tpu.memory_space<vmem>>, vector<1x10000xi32>
    %iota3A = tpu.iota {dimensions = array<i32: 1>} : vector<10000x128xi32>
    %iota3A_59 = tpu.iota {dimensions = array<i32: 0>} : vector<128x10000xi32>
    %eq3A = vector.broadcast %get3A_55 : vector<10000x1xi32> to vector<10000x128xi32>
    %eq3A_60 = arith.cmpi eq, %eq3A, %iota3A : vector<10000x128xi32>
    %convert_element_type3A = arith.extui %eq3A_60 : vector<10000x128xi1> to vector<10000x128xi32>
    %convert_element_type3A_61 = arith.sitofp %convert_element_type3A : vector<10000x128xi32> to vector<10000x128xf32>
    %eq3A_62 = vector.broadcast %get3A_58 : vector<1x10000xi32> to vector<128x10000xi32>
    %eq3A_63 = arith.cmpi eq, %eq3A_62, %iota3A_59 : vector<128x10000xi32>
    %convert_element_type3A_64 = arith.extui %eq3A_63 : vector<128x10000xi1> to vector<128x10000xi32>
    %convert_element_type3A_65 = arith.sitofp %convert_element_type3A_64 : vector<128x10000xi32> to vector<128x10000xf32>
    %dot_general3A_66 = arith.constant dense<0.000000e+00> : vector<128x128xf32>
    %dot_general3A_67 = tpu.matmul %convert_element_type3A_65, %max3A_52, %dot_general3A_66 {dimension_numbers = #tpu.dot_dimension_numbers<[1], [0], [0], [1], [0, 0, 1, 1], [], []>, transpose_lhs_hint = false} : vector<128x10000xf32>, vector<10000x128xf32>, vector<128x128xf32> -> vector<128x128xf32>
    %get3A_68 = arith.constant 0 : index
    %get3A_69 = arith.constant 0 : index
    %get3A_70 = vector.load %arg11[%get3A_68, %get3A_69] : memref<128x128xf32, #tpu.memory_space<vmem>>, vector<128x128xf32>
    %add3A_71 = arith.addf %dot_general3A_67, %get3A_70 : vector<128x128xf32>
    %get3A_72 = arith.constant 0 : index
    %get3A_73 = arith.constant 0 : index
    %get3A_74 = vector.load %arg12[%get3A_72, %get3A_73] : memref<128x128xf32, #tpu.memory_space<vmem>>, vector<128x128xf32>
    %get3A_75 = arith.constant 0 : index
    %get3A_76 = arith.constant 0 : index
    %get3A_77 = vector.load %arg13[%get3A_75, %get3A_76] : memref<1x128xf32, #tpu.memory_space<vmem>>, vector<1x128xf32>
    %get3A_78 = arith.constant 0 : index
    %get3A_79 = arith.constant 0 : index
    %get3A_80 = vector.load %arg14[%get3A_78, %get3A_79] : memref<128x128xf32, #tpu.memory_space<vmem>>, vector<128x128xf32>
    %get3A_81 = arith.constant 0 : index
    %get3A_82 = arith.constant 0 : index
    %get3A_83 = vector.load %arg15[%get3A_81, %get3A_82] : memref<1x128xf32, #tpu.memory_space<vmem>>, vector<1x128xf32>
    %dot_general3A_84 = arith.constant dense<0.000000e+00> : vector<128x128xf32>
    %dot_general3A_85 = tpu.matmul %add3A_71, %get3A_74, %dot_general3A_84 {dimension_numbers = #tpu.dot_dimension_numbers<[1], [0], [0], [1], [0, 0, 1, 1], [], []>, transpose_lhs_hint = false} : vector<128x128xf32>, vector<128x128xf32>, vector<128x128xf32> -> vector<128x128xf32>
    %add3A_86 = vector.broadcast %get3A_77 : vector<1x128xf32> to vector<128x128xf32>
    %add3A_87 = arith.addf %dot_general3A_85, %add3A_86 : vector<128x128xf32>
    %max3A_88 = arith.constant 0.000000e+00 : f32
    %max3A_89 = vector.broadcast %max3A_88 : f32 to vector<128x128xf32>
    %max3A_90 = arith.maximumf %add3A_87, %max3A_89 : vector<128x128xf32>
    %dot_general3A_91 = arith.constant dense<0.000000e+00> : vector<128x128xf32>
    %dot_general3A_92 = tpu.matmul %max3A_90, %get3A_80, %dot_general3A_91 {dimension_numbers = #tpu.dot_dimension_numbers<[1], [0], [0], [1], [0, 0, 1, 1], [], []>, transpose_lhs_hint = false} : vector<128x128xf32>, vector<128x128xf32>, vector<128x128xf32> -> vector<128x128xf32>
    %add3A_93 = vector.broadcast %get3A_83 : vector<1x128xf32> to vector<128x128xf32>
    %add3A_94 = arith.addf %dot_general3A_92, %add3A_93 : vector<128x128xf32>
    %dot_general3A_95 = arith.constant dense<0.000000e+00> : vector<10000x128xf32>
    %dot_general3A_96 = tpu.matmul %convert_element_type3A_61, %add3A_94, %dot_general3A_95 {dimension_numbers = #tpu.dot_dimension_numbers<[1], [0], [0], [1], [0, 0, 1, 1], [], []>, transpose_lhs_hint = false} : vector<10000x128xf32>, vector<128x128xf32>, vector<10000x128xf32> -> vector<10000x128xf32>
    %add3A_97 = arith.addf %max3A_52, %dot_general3A_96 : vector<10000x128xf32>
    %swap3A = arith.constant 0 : index
    %swap3A_98 = arith.constant 0 : index
    %swap3A_99 = vector.load %arg16[%swap3A, %swap3A_98] : memref<10000x128xf32, #tpu.memory_space<vmem>>, vector<10000x128xf32>
    tpu.vector_store %arg16[%swap3A, %swap3A_98], %add3A_97 {strides = array<i32>} : memref<10000x128xf32, #tpu.memory_space<vmem>>, vector<10000x128xf32>,
    %swap3A_100 = arith.constant 0 : index
    %swap3A_101 = arith.constant 0 : index
    %swap3A_102 = vector.load %arg17[%swap3A_100, %swap3A_101] : memref<128x128xf32, #tpu.memory_space<vmem>>, vector<128x128xf32>
    tpu.vector_store %arg17[%swap3A_100, %swap3A_101], %add3A_94 {strides = array<i32>} : memref<128x128xf32, #tpu.memory_space<vmem>>, vector<128x128xf32>,
    return
  }
}

module attributes {stable_mosaic.version = 14 : i64} {
  func.func @_tc_fin_body(%arg0: memref<10000x128xf32, #tpu.memory_space<vmem>>, %arg1: memref<20480x128xf32, #tpu.memory_space<vmem>>, %arg2: memref<1x10000xi32, #tpu.memory_space<vmem>>, %arg3: memref<1x1xf32, #tpu.memory_space<vmem>>, %arg4: memref<128x128xf32, #tpu.memory_space<vmem>>, %arg5: memref<1x128xf32, #tpu.memory_space<vmem>>, %arg6: memref<128x128xf32, #tpu.memory_space<vmem>>, %arg7: memref<1x128xf32, #tpu.memory_space<vmem>>, %arg8: memref<1x128xf32, #tpu.memory_space<vmem>>, %arg9: memref<1x128xf32, #tpu.memory_space<vmem>>, %arg10: memref<128x128xf32, #tpu.memory_space<vmem>>, %arg11: memref<128x128xf32, #tpu.memory_space<vmem>>, %arg12: memref<1x128xf32, #tpu.memory_space<vmem>>, %arg13: memref<128x40xf32, #tpu.memory_space<vmem>>, %arg14: memref<1x40xf32, #tpu.memory_space<vmem>>, %arg15: memref<128x40xf32, #tpu.memory_space<vmem>>) attributes {dimension_semantics = [], scalar_prefetch = 0 : i64, scratch_operands = 0 : i64, tpu.core_type = #tpu.core_type<tc>} {
    %get3A = arith.constant 0 : index
    %get3A_0 = arith.constant 0 : index
    %get3A_1 = vector.load %arg0[%get3A, %get3A_0] : memref<10000x128xf32, #tpu.memory_space<vmem>>, vector<10000x128xf32>
    %get3A_2 = arith.constant 0 : index
    %get3A_3 = arith.constant 0 : index
    %get3A_4 = vector.load %arg1[%get3A_2, %get3A_3] : memref<20480x128xf32, #tpu.memory_space<vmem>>, vector<10000x128xf32>
    %get3A_5 = arith.constant 10240 : index
    %get3A_6 = arith.constant 0 : index
    %get3A_7 = vector.load %arg1[%get3A_5, %get3A_6] : memref<20480x128xf32, #tpu.memory_space<vmem>>, vector<10000x128xf32>
    %add3A = arith.addf %get3A_4, %get3A_7 : vector<10000x128xf32>
    %get3A_8 = arith.constant 0 : index
    %get3A_9 = arith.constant 0 : index
    %get3A_10 = vector.load %arg3[%get3A_8, %get3A_9] : memref<1x1xf32, #tpu.memory_space<vmem>>, vector<1x1xf32>
    %get3A_11 = vector.extract %get3A_10[0, 0] : f32 from vector<1x1xf32>
    %add3A_12 = arith.constant 1.000000e+00 : f32
    %add3A_13 = arith.addf %add3A_12, %get3A_11 : f32
    %mul3A = vector.broadcast %add3A_13 : f32 to vector<10000x128xf32>
    %mul3A_14 = arith.mulf %mul3A, %get3A_1 : vector<10000x128xf32>
    %add3A_15 = arith.addf %mul3A_14, %add3A : vector<10000x128xf32>
    %get3A_16 = arith.constant 0 : index
    %get3A_17 = arith.constant 0 : index
    %get3A_18 = vector.load %arg4[%get3A_16, %get3A_17] : memref<128x128xf32, #tpu.memory_space<vmem>>, vector<128x128xf32>
    %dot_general3A = arith.constant dense<0.000000e+00> : vector<10000x128xf32>
    %dot_general3A_19 = tpu.matmul %add3A_15, %get3A_18, %dot_general3A {dimension_numbers = #tpu.dot_dimension_numbers<[1], [0], [0], [1], [0, 0, 1, 1], [], []>, transpose_lhs_hint = false} : vector<10000x128xf32>, vector<128x128xf32>, vector<10000x128xf32> -> vector<10000x128xf32>
    %get3A_20 = arith.constant 0 : index
    %get3A_21 = arith.constant 0 : index
    %get3A_22 = vector.load %arg5[%get3A_20, %get3A_21] : memref<1x128xf32, #tpu.memory_space<vmem>>, vector<1x128xf32>
    %add3A_23 = vector.broadcast %get3A_22 : vector<1x128xf32> to vector<10000x128xf32>
    %add3A_24 = arith.addf %dot_general3A_19, %add3A_23 : vector<10000x128xf32>
    %max3A = arith.constant 0.000000e+00 : f32
    %max3A_25 = vector.broadcast %max3A : f32 to vector<10000x128xf32>
    %max3A_26 = arith.maximumf %add3A_24, %max3A_25 : vector<10000x128xf32>
    %get3A_27 = arith.constant 0 : index
    %get3A_28 = arith.constant 0 : index
    %get3A_29 = vector.load %arg6[%get3A_27, %get3A_28] : memref<128x128xf32, #tpu.memory_space<vmem>>, vector<128x128xf32>
    %dot_general3A_30 = arith.constant dense<0.000000e+00> : vector<10000x128xf32>
    %dot_general3A_31 = tpu.matmul %max3A_26, %get3A_29, %dot_general3A_30 {dimension_numbers = #tpu.dot_dimension_numbers<[1], [0], [0], [1], [0, 0, 1, 1], [], []>, transpose_lhs_hint = false} : vector<10000x128xf32>, vector<128x128xf32>, vector<10000x128xf32> -> vector<10000x128xf32>
    %get3A_32 = arith.constant 0 : index
    %get3A_33 = arith.constant 0 : index
    %get3A_34 = vector.load %arg7[%get3A_32, %get3A_33] : memref<1x128xf32, #tpu.memory_space<vmem>>, vector<1x128xf32>
    %add3A_35 = vector.broadcast %get3A_34 : vector<1x128xf32> to vector<10000x128xf32>
    %add3A_36 = arith.addf %dot_general3A_31, %add3A_35 : vector<10000x128xf32>
    %get3A_37 = arith.constant 0 : index
    %get3A_38 = arith.constant 0 : index
    %get3A_39 = vector.load %arg8[%get3A_37, %get3A_38] : memref<1x128xf32, #tpu.memory_space<vmem>>, vector<1x128xf32>
    %mul3A_40 = arith.constant 0.999994993 : f32
    %mul3A_41 = vector.broadcast %mul3A_40 : f32 to vector<1x128xf32>
    %mul3A_42 = arith.mulf %mul3A_41, %get3A_39 : vector<1x128xf32>
    %mul3A_43 = vector.broadcast %mul3A_42 : vector<1x128xf32> to vector<10000x128xf32>
    %mul3A_44 = arith.mulf %add3A_36, %mul3A_43 : vector<10000x128xf32>
    %get3A_45 = arith.constant 0 : index
    %get3A_46 = arith.constant 0 : index
    %get3A_47 = vector.load %arg9[%get3A_45, %get3A_46] : memref<1x128xf32, #tpu.memory_space<vmem>>, vector<1x128xf32>
    %add3A_48 = vector.broadcast %get3A_47 : vector<1x128xf32> to vector<10000x128xf32>
    %add3A_49 = arith.addf %mul3A_44, %add3A_48 : vector<10000x128xf32>
    %max3A_50 = arith.constant 0.000000e+00 : f32
    %max3A_51 = vector.broadcast %max3A_50 : f32 to vector<10000x128xf32>
    %max3A_52 = arith.maximumf %add3A_49, %max3A_51 : vector<10000x128xf32>
    %iota3A = tpu.iota {dimensions = array<i32: 0>} : vector<128x10000xi32>
    %get3A_53 = arith.constant 0 : index
    %get3A_54 = arith.constant 0 : index
    %get3A_55 = vector.load %arg2[%get3A_53, %get3A_54] : memref<1x10000xi32, #tpu.memory_space<vmem>>, vector<1x10000xi32>
    %eq3A = vector.broadcast %get3A_55 : vector<1x10000xi32> to vector<128x10000xi32>
    %eq3A_56 = arith.cmpi eq, %eq3A, %iota3A : vector<128x10000xi32>
    %convert_element_type3A = arith.extui %eq3A_56 : vector<128x10000xi1> to vector<128x10000xi32>
    %convert_element_type3A_57 = arith.sitofp %convert_element_type3A : vector<128x10000xi32> to vector<128x10000xf32>
    %dot_general3A_58 = arith.constant dense<0.000000e+00> : vector<128x128xf32>
    %dot_general3A_59 = tpu.matmul %convert_element_type3A_57, %max3A_52, %dot_general3A_58 {dimension_numbers = #tpu.dot_dimension_numbers<[1], [0], [0], [1], [0, 0, 1, 1], [], []>, transpose_lhs_hint = false} : vector<128x10000xf32>, vector<10000x128xf32>, vector<128x128xf32> -> vector<128x128xf32>
    %get3A_60 = arith.constant 0 : index
    %get3A_61 = arith.constant 0 : index
    %get3A_62 = vector.load %arg10[%get3A_60, %get3A_61] : memref<128x128xf32, #tpu.memory_space<vmem>>, vector<128x128xf32>
    %add3A_63 = arith.addf %dot_general3A_59, %get3A_62 : vector<128x128xf32>
    %get3A_64 = arith.constant 0 : index
    %get3A_65 = arith.constant 0 : index
    %get3A_66 = vector.load %arg11[%get3A_64, %get3A_65] : memref<128x128xf32, #tpu.memory_space<vmem>>, vector<128x128xf32>
    %dot_general3A_67 = arith.constant dense<0.000000e+00> : vector<128x128xf32>
    %dot_general3A_68 = tpu.matmul %add3A_63, %get3A_66, %dot_general3A_67 {dimension_numbers = #tpu.dot_dimension_numbers<[1], [0], [0], [1], [0, 0, 1, 1], [], []>, transpose_lhs_hint = false} : vector<128x128xf32>, vector<128x128xf32>, vector<128x128xf32> -> vector<128x128xf32>
    %get3A_69 = arith.constant 0 : index
    %get3A_70 = arith.constant 0 : index
    %get3A_71 = vector.load %arg12[%get3A_69, %get3A_70] : memref<1x128xf32, #tpu.memory_space<vmem>>, vector<1x128xf32>
    %add3A_72 = vector.broadcast %get3A_71 : vector<1x128xf32> to vector<128x128xf32>
    %add3A_73 = arith.addf %dot_general3A_68, %add3A_72 : vector<128x128xf32>
    %max3A_74 = arith.constant 0.000000e+00 : f32
    %max3A_75 = vector.broadcast %max3A_74 : f32 to vector<128x128xf32>
    %max3A_76 = arith.maximumf %add3A_73, %max3A_75 : vector<128x128xf32>
    %get3A_77 = arith.constant 0 : index
    %get3A_78 = arith.constant 0 : index
    %get3A_79 = vector.load %arg13[%get3A_77, %get3A_78] : memref<128x40xf32, #tpu.memory_space<vmem>>, vector<128x40xf32>
    %dot_general3A_80 = arith.constant dense<0.000000e+00> : vector<128x40xf32>
    %dot_general3A_81 = tpu.matmul %max3A_76, %get3A_79, %dot_general3A_80 {dimension_numbers = #tpu.dot_dimension_numbers<[1], [0], [0], [1], [0, 0, 1, 1], [], []>, transpose_lhs_hint = false} : vector<128x128xf32>, vector<128x40xf32>, vector<128x40xf32> -> vector<128x40xf32>
    %get3A_82 = arith.constant 0 : index
    %get3A_83 = arith.constant 0 : index
    %get3A_84 = vector.load %arg14[%get3A_82, %get3A_83] : memref<1x40xf32, #tpu.memory_space<vmem>>, vector<1x40xf32>
    %add3A_85 = vector.broadcast %get3A_84 : vector<1x40xf32> to vector<128x40xf32>
    %add3A_86 = arith.addf %dot_general3A_81, %add3A_85 : vector<128x40xf32>
    %reduce_max3A = arith.constant dense<0xFF800000> : vector<128xf32>
    %reduce_max3A_87 = vector.multi_reduction <maximumf>, %add3A_86, %reduce_max3A [1] : vector<128x40xf32> to vector<128xf32>
    %broadcast_in_dim3A = vector.shape_cast %reduce_max3A_87 : vector<128xf32> to vector<128x1xf32>
    %sub3A = vector.broadcast %broadcast_in_dim3A : vector<128x1xf32> to vector<128x40xf32>
    %sub3A_88 = arith.subf %add3A_86, %sub3A : vector<128x40xf32>
    %exp3A = math.exp %sub3A_88 : vector<128x40xf32>
    %sub3A_89 = vector.broadcast %broadcast_in_dim3A : vector<128x1xf32> to vector<128x40xf32>
    %sub3A_90 = arith.subf %add3A_86, %sub3A_89 : vector<128x40xf32>
    %reduce_sum3A = arith.constant dense<0.000000e+00> : vector<128xf32>
    %reduce_sum3A_91 = vector.multi_reduction <add>, %exp3A, %reduce_sum3A [1] : vector<128x40xf32> to vector<128xf32>
    %broadcast_in_dim3A_92 = vector.shape_cast %reduce_sum3A_91 : vector<128xf32> to vector<128x1xf32>
    %log3A = math.log %broadcast_in_dim3A_92 : vector<128x1xf32>
    %sub3A_93 = vector.broadcast %log3A : vector<128x1xf32> to vector<128x40xf32>
    %sub3A_94 = arith.subf %sub3A_90, %sub3A_93 : vector<128x40xf32>
    %swap3A = arith.constant 0 : index
    %swap3A_95 = arith.constant 0 : index
    %swap3A_96 = vector.load %arg15[%swap3A, %swap3A_95] : memref<128x40xf32, #tpu.memory_space<vmem>>, vector<128x40xf32>
    tpu.vector_store %arg15[%swap3A, %swap3A_95], %sub3A_94 {strides = array<i32>} : memref<128x40xf32, #tpu.memory_space<vmem>>, vector<128x40xf32>,
    return
  }
}

</mosaic_0001>

<sc_bundles>
// kernel: kernel.12.cloned.1.call-start
scs
__scs_entry_jumppad:
0x0: {  	(pc) =	sbr.rel $0x88, $3  }
0x1: {  	(tag) =	ssettag $0x0;
	lr =	simm.s32 $0x1  }
0x2: {  	[smem:$0x3F8A] =	sst lr;
	_ =	strace $0xD0000000  }
0x3: {  	_ = 	snop  }
0x4: {  	_ = 	snop  }
0x5: {  	_ = 	snop  }
0x6: {  	_ = 	snop  }
0x7: {  	_ = 	snop  }
__scs_overlays_trampoline_lowered:
0x8: {  	[smem:$0x3F99] =	sst s0  }
0x9: {  	[smem:$0x3F9A] =	sst s1  }
0xa: {  	[smem:$0x3F9B] =	sst s2  }
0xb: {  	[smem:$0x3F9C] =	sst s3  }
0xc: {  	[smem:$0x3F9D] =	sst s4  }
0xd: {  	[smem:$0x3F9E] =	sst s5  }
0xe: {  	[smem:$0x3F9F] =	sst s6  }
0xf: {  	[smem:$0x3FA0] =	sst s7  }
0x10: {  	[smem:$0x3FA1] =	sst s8  }
0x11: {  	[smem:$0x3FA2] =	sst s9;
	s0 =	simm.s32 @!p0 $0x0  }
0x12: {  	s1 =	sld [smem:$0x3F88];
	s0 =	simm.s32 @p0 $0x1  }
0x13: {  	[smem:$0x3FA3] =	sst s0;
	s0 =	simm.s32 @!p1 $0x0  }
0x14: {  	s2 =	sld [smem:$0x3F87];
	s0 =	simm.s32 @p1 $0x1  }
0x15: {  	[smem:$0x3FA4] =	sst s0;
	s0 =	simm.s32 @!p2 $0x0  }
0x16: {  	s3 =	sld [smem:$0x3FDB];
	s0 =	simm.s32 @p2 $0x1  }
0x17: {  	s4 =	simm.s32 $0x1BF5;
	[smem:$0x3FA6] =	sst s0  }
0x18: {  	s0 =	sld [smem:$0x3F89];
	_ =	swait.ge [sflag:s4], $0x0  }
0x19: {  	s7 =	sld [smem:$0x3F8A]  }
0x1a: {  	s8 =	sadd.s32 $0xFFFFE003, lr  }
0x1b: {  	s9 =	sadd.s32 $0xFFFFFEF7, lr;
	s5 =	simm.s32 $0xFFFFFFFF;
	p2 =	slt.u32 s8, $0xFFFFF086  }
0x1c: {  	p1 =	slt.u32 s9, $0xF7A;
	s5 =	simm.s32 @!p2 $0x0  }
0x1d: {  	s5 =	simm.s32 @p1 $0x1;
	p0 =	seq.s32 s7, s2  }
0x1e: {  	s7 =	smul.u32 @!p0 $0xF7A, s2;
	p2 =	seq.s32 @!p0 s5, $0x0  }
0x1f: {  	s9 =	smul.u32 $0xF7A, s1;
	s8 =	simm.s32 @!p0 $0x1BF5;
	p2 =	por !p2, p0  }
0x20: {  	[sflag:s8] =	ssyncset.s32 @!p0 $0xFFFFF086;
	s6 =	sadd.s32 @!p0 s3, s7;
	s7 =	simm.s32 @!p0 $0x108  }
0x21: {  	s3 =	sadd.s32 s3, s9;
	s6 =	sadd.s32 @!p0 $0x88, s6;
	s7 =	simm.s32 @p2 $0x1082  }
0x22: {  	[simem:s7], [sflag:s8] =	dma.local @!p0 [hbm:s6], $0xF7A  }
0x23: {  	s9 =	sor.u32 $0xD0000000, s2;
	s6 =	simm.s32 $0x108;
	_ =	swait.ge @!p0 [sflag:s8], $0x0  }
0x24: {  	s3 =	sadd.s32 $0x88, s3;
	s6 =	simm.s32 @!p1 $0x1082;
	[sflag:s4] =	ssyncset.s32 $0xFFFFF086  }
0x25: {  	[simem:s6], [sflag:s4] =	dma.local [hbm:s3], $0xF7A  }
0x26: {  	[smem:$0x3F8A] =	sst s1;
	(tag) =	ssettag s2;
	_ =	strace s9  }
0x27: {  	s1 =	sld [smem:$0x3F9A]  }
0x28: {  	s2 =	sld [smem:$0x3F9B]  }
0x29: {  	s4 =	sld [smem:$0x3F9D]  }
0x2a: {  	p0 =	seq.s32 s5, $0x0;
	s5 =	sld [smem:$0x3F9E]  }
0x2b: {  	s6 =	sld [smem:$0x3F9F]  }
0x2c: {  	s7 =	sld [smem:$0x3FA0]  }
0x2d: {  	s3 =	simm.s32 $0x108;
	s8 =	sld [smem:$0x3FA1]  }
0x2e: {  	s3 =	simm.s32 @!p0 $0x1082;
	s9 =	sld [smem:$0x3FA2]  }
0x2f: {  	lr =	sadd.s32 s0, s3;
	s0 =	sld [smem:$0x3F99]  }
0x30: {  	s3 =	sld [smem:$0x3F9C]  }
0x31: {  	[smem:$0x3FA5] =	sst s10  }
0x32: {  	s10 =	sld [smem:$0x3FA3];
	_ =	sdelay $0x3  }
0x33: {  	p0 =	seq.s32 s10, $0x1;
	s10 =	sld [smem:$0x3FA5];
	_ =	sdelay $0x3  }
0x34: {  	[smem:$0x3FA5] =	sst s10  }
0x35: {  	s10 =	sld [smem:$0x3FA4];
	_ =	sdelay $0x3  }
0x36: {  	p1 =	seq.s32 s10, $0x1;
	s10 =	sld [smem:$0x3FA5];
	_ =	sdelay $0x3  }
0x37: {  	[smem:$0x3FA5] =	sst s10  }
0x38: {  	s10 =	sld [smem:$0x3FA6]  }
0x39: {  	_ = 	snop;
	(pc) =	sbr.ind lr, $3  }
0x3a: {  	_ = 	snop  }
0x3b: {  	_ = 	snop  }
0x3c: {  	p2 =	seq.s32 s10, $0x1;
	s10 =	sld [smem:$0x3FA5]  }
0x3d: {  	_ =	shalt  }
0x3e: {  	_ =	shalt  }
0x3f: {  	_ =	shalt  }
0x40: {  	_ =	shalt  }
0x41: {  	_ =	shalt  }
0x42: {  	_ =	shalt  }
0x43: {  	_ =	shalt  }
0x44: {  	_ =	shalt  }
0x45: {  	_ =	shalt  }
0x46: {  	_ =	shalt  }
0x47: {  	_ =	shalt  }
0x48: {  	_ =	shalt  }
0x49: {  	_ =	shalt  }
0x4a: {  	_ =	shalt  }
0x4b: {  	_ =	shalt  }
0x4c: {  	_ =	shalt  }
0x4d: {  	_ =	shalt  }
0x4e: {  	_ =	shalt  }
0x4f: {  	_ =	shalt  }
0x50: {  	_ =	shalt  }
0x51: {  	_ =	shalt  }
0x52: {  	_ =	shalt  }
0x53: {  	_ =	shalt  }
0x54: {  	_ =	shalt  }
0x55: {  	_ =	shalt  }
0x56: {  	_ =	shalt  }
0x57: {  	_ =	shalt  }
0x58: {  	_ =	shalt  }
0x59: {  	_ =	shalt  }
0x5a: {  	_ =	shalt  }
0x5b: {  	_ =	shalt  }
0x5c: {  	_ =	shalt  }
0x5d: {  	_ =	shalt  }
0x5e: {  	_ =	shalt  }
0x5f: {  	_ =	shalt  }
0x60: {  	_ =	shalt  }
0x61: {  	_ =	shalt  }
0x62: {  	_ =	shalt  }
0x63: {  	_ =	shalt  }
0x64: {  	_ =	shalt  }
0x65: {  	_ =	shalt  }
0x66: {  	_ =	shalt  }
0x67: {  	_ =	shalt  }
0x68: {  	_ =	shalt  }
0x69: {  	_ =	shalt  }
0x6a: {  	_ =	shalt  }
0x6b: {  	_ =	shalt  }
0x6c: {  	_ =	shalt  }
0x6d: {  	_ =	shalt  }
0x6e: {  	_ =	shalt  }
0x6f: {  	_ =	shalt  }
0x70: {  	_ =	shalt  }
0x71: {  	_ =	shalt  }
0x72: {  	_ =	shalt  }
0x73: {  	_ =	shalt  }
0x74: {  	_ =	shalt  }
0x75: {  	_ =	shalt  }
0x76: {  	_ =	shalt  }
0x77: {  	_ =	shalt  }
0x78: {  	_ =	shalt  }
0x79: {  	_ =	shalt  }
0x7a: {  	_ =	shalt  }
0x7b: {  	_ =	shalt  }
0x7c: {  	_ =	shalt  }
0x7d: {  	_ =	shalt  }
0x7e: {  	_ =	shalt  }
0x7f: {  	_ =	shalt  }
0x80: {  	_ =	shalt  }
0x81: {  	_ =	shalt  }
0x82: {  	_ =	shalt  }
0x83: {  	_ =	shalt  }
0x84: {  	_ =	shalt  }
0x85: {  	_ =	shalt  }
0x86: {  	_ =	shalt  }
0x87: {  	_ =	shalt  }
.Lfunc_end0:
.L_simem_size_0:
called_computation.1_lowered:
.L_overlay_start_0:
0x88: {  	s2 =	sld [smem:$0x3FD9]  }
0x89: {  	s3 =	sld [smem:$0x3FFE];
	_ =	sdelay $0x1  }
0x8a: {  	s1 =	srdreg.scid  }
0x8b: {  	s0 =	sand.u32 $0x1, s1  }
0x8c: {  	s16 =	sshll.u32 s0, $0xA;
	s2 =	sadd.s32 s3, s2  }
0x8d: {  	s2 =	sadd.s32 s2, s16  }
0x8e: {  	[smem:$0x3FB1] =	sst s2  }
0x8f: {  	_ = 	snop  }
0x90: {  	(tm) =	ssettm $0x1  }
0x91: {  	s17 =	sld [smem:$0x3FFB];
	_ =	sdelay $0x3  }
0x92: {  	_ =	strace s17  }
0x93: {  	s2 =	sld [smem:$0x3FFC];
	_ =	sdelay $0x3  }
0x94: {  	_ =	strace s2  }
0x95: {  	s2 =	sld [smem:$0x3FFD];
	_ =	sdelay $0x3  }
0x96: {  	_ =	strace s2  }
0x97: {  	_ =	strace $0x8FFFFFFF  }
0x98: {  	s18 =	sld [smem:$0x3FDB];
	_ =	sdelay $0x1  }
0x99: {  	s19 =	simm.s32 $_scs_section_size  }
0x9a: {  	s4 =	simm.s32 $_size__tile_overlayer_lowered;
	s5 =	simm.s32 $_tile_overlayer_lowered  }
0x9b: {  	s22 =	simm.s32 $0x1BFF;
	s21 =	sshll.u32 s5, $0x1;
	s2 =	sadd.s32 s19, s18  }
0x9c: {  	s6 =	simm.s32 $0x0;
	s20 =	sshll.u32 s4, $0x1;
	s4 =	sadd.s32 s21, s2  }
0x9d: {  	[timem:s6], [sflag:s22] =	dma.local [hbm:s4], s20  }
0x9e: {  	_ =	swait.ge [sflag:s22], s20  }
0x9f: {  	s3 =	ssub.s32 $0x0, s20;
	[sflag:s22] =	ssyncset.done $0x0  }
0xa0: {  	[sflag:s22] =	ssyncadd.s32 s3;
	_ =	sdelay $0x1  }
0xa1: {  	s23 =	simm.s32 $0x1B8B  }
0xa2: {  	_ =	swait.ge [sflag:s23], $0x1  }
0xa3: {  	[sflag:s23] =	ssyncset.done $0x0  }
0xa4: {  	s25 =	simm.s32 $0x1B8E;
	s24 =	sld [smem:$0x3FFE];
	[sflag:s23] =	ssyncadd.s32 $0xFFFFFFFF  }
0xa5: {  	s26 =	simm.s32 $execute0_lowered;
	[smem:$0x3FD2] =	sst s25  }
0xa6: {  	s4 =	sshll.u32 s26, $0x1;
	_ =	strace $0x80000049;
	[dreg:$0x1] =	wrdreg $0xFFFFFFFF  }
0xa7: {  	s28 =	simm.s32 $_size_execute0_lowered;
	s2 =	sadd.s32 s2, s4;
	[dreg:$0x0] =	wrdreg $0x0  }
0xa8: {  	s4 =	sshll.u32 s28, $0x1;
	[dreg:$0x2] =	wrdreg s2  }
0xa9: {  	[dreg:$0x3] =	wrdreg s4  }
0xaa: {  	[dreg:$0x4] =	wrdreg $0xC0  }
0xab: {  	_ =	task [dreg:s6], $0x5FFFF  }
0xac: {  	[dreg:$0x1] =	wrdreg $0xFFFFFFFF  }
0xad: {  	[dreg:$0x0] =	wrdreg $0x60  }
0xae: {  	[dreg:$0x2] =	wrdreg s24  }
0xaf: {  	[dreg:$0x3] =	wrdreg $0x90000  }
0xb0: {  	[dreg:$0x4] =	wrdreg $0x9  }
0xb1: {  	_ =	task.clear_ibuf [dreg:s6], $0x5FFFF;
	_ =	strace $0x90000049  }
0xb2: {  	s29 =	simm.s32 $0x9;
	_ =	strace $0x8000004B  }
0xb3: {  	_ =	swait.ge [sflag:s29], $0x1  }
0xb4: {  	[sflag:s29] =	ssyncadd.s32 $0xFFFFFFFF  }
0xb5: {  	_ =	strace $0x9000004B  }
0xb6: {  	_ =	sfence  }
0xb7: {  	s30 =	sld [smem:$0x0];
	_ =	sdelay $0x2  }
0xb8: {  	s31 =	sshll.u32 s1, $0xD;
	s1 =	sshrl.u32 s1, $0x2  }
0xb9: {  	s3 =	sand.u32 $0x4000, s31;
	s1 =	sadd.s32 s1, s30  }
0xba: {  	s0 =	sor.u32 s3, s0;
	s1 =	sshll.u32 s1, $0x11  }
0xbb: {  	s0 =	sor.u32 s1, s0  }
0xbc: {  	s0 =	sadd.s32 $0x8F2B, s0  }
0xbd: {  	[sflag:s0] =	ssyncadd.remote.s32 $0x1  }
0xbe: {  	_ =	sfence.sel $0xFFFF  }
0xbf: {  	[dreg:$0x0] =	wrdreg $0xFFFFFFFF;
	(pc) =	sbr.abs _section_cstart, $3  }
0xc0: {  	[dreg:$0x1] =	wrdreg $0xFFFFFFFF  }
0xc1: {  	_ =	task.clear_ibuf [dreg:s6], $0x2FFFF;
	_ =	strace $0x9FFFFFFF  }
0xc2: {  	(tm) =	ssettm $0x7FFFFFFF  }
0xc3: {  	_ =	shalt  }
tec
execute0_lowered:
.L_overlay_start_1:
0x0: {  	(tag) =	ssettag $0x1  }
0x1: {  	s0 =	srdreg.scid;
	s7 =	rddreg [dreg:$0x0]  }
0x2: {  	s2 =	rddreg [dreg:$0x1];
	s3 =	simm.s32 $0x0;
	s13 =	simm.s32 $0x2800  }
0x3: {  	s14 =	simm.s32 $0x80;
	s6 =	sand.u32 $0x1, s0;
	s0 =	stileid.u32  }
0x4: {  	s15 =	simm.s32 $0x5000;
	s16 =	simm.s32 $0x1;
	s8 =	smul.u32 $0x2800, s0  }
0x5: {  	s17 =	simm.s32 $0x0;
	[smem:$0x7FF] =	sst s3;
	s9 =	smul.u32 $0x28000, s6  }
0x6: {  	s1 =	sshll.u32 s6, $0x4;
	s11 =	smul.u32 $0x50000, s0;
	s6 =	ssub.s32 $0x2, s6  }
0x7: {  	s31 =	sshll.u32 s0, $0x6;
	s4 =	sor.u32 s0, s1;
	s1 =	rddreg [dreg:$0x2]  }
0x8: {  	_ =	strace $0x8000004A;
	s28 =	sshrl.u32 s6, $0x1;
	s5 =	smul.u32 $0x500, s4  }
0x9: {  	s4 =	sadd.s32 $0x1A800, s7;
	s8 =	sadd.s32 s8, s9;
	s29 =	sshrl.u32 s11, $0x2  }
0xa: {  	s30 =	ssub.s32 s6, s28;
	s6 =	sor.u32 $0x1C02, s31;
	s9 =	sadd.s32 s8, s7  }
0xb: {  	s12 =	sadd.s32 s29, s2;
	s10 =	sadd.s32 s5, s7;
	s5 =	sadd.s32 $0x41A00, s7  }
0xc: {  	s9 =	sadd.s32 $0x44200, s9;
	s11 =	sshrl.u32 s12, $0x3;
	s12 =	simm.s32 $0x2  }
0xd: {  	s7 =	sadd.s32 $0x6800, s10;
	s8 =	sadd.s32 $0x10800, s10;
	s10 =	smax.u32 s30, $0x1  }
.LBB2_1:
0xe: {  	[spmem:s11], [sflag:s6] =	dma.local [hbm:s5], $0x2800  }
0xf: {  	_ =	swait.ge [sflag:s12], $0x2800  }
0x10: {  	[sflag:s12] =	ssyncset.done $0x0  }
0x11: {  	[sflag:s12] =	ssyncadd.s32 $0xFFFFD800  }
0x12: {  	[tilespmem:s3], [sflag:$0x2] =	stream.linear.gather [hbm4b:s7+s3], $0x2780, $0x38;
	[tilespmem:$0x1D000] =	vst v63  }
0x13: {  	_ =	swait.ge [sflag:s12], $0x2780  }
0x14: {  	[sflag:s12] =	ssyncset.done $0x0  }
0x15: {  	[sflag:s12] =	ssyncadd.s32 $0xFFFFD880  }
0x16: {  	[tilespmem:s13], [sflag:$0x2] =	stream.linear.gather [hbm4b:s8+s3], $0x2780, $0x38;
	[tilespmem:$0x1D000] =	vst v63  }
0x17: {  	_ =	swait.ge [sflag:s12], $0x2780  }
0x18: {  	[sflag:s12] =	ssyncset.done $0x0  }
0x19: {  	[sflag:s12] =	ssyncadd.s32 $0xFFFFD880  }
0x1a: {  	s18 =	simm.s32 $0x0;
	[bflag:$0x0] =	sbarrier.arrive $0xFFFF  }
0x1b: {  	[tilespmem:s15], [sflag:$0x1] =	stream.indirect.gather [hbm4b:s4+s14], $0x80, s18, s14, $0xb8;
	[tilespmem:$0x1D000] =	vst v63  }
0x1c: {  	_ =	swait.ge [sflag:s16], $0x4000  }
0x1d: {  	[sflag:s16] =	ssyncset.done $0x0  }
0x1e: {  	s31 =	simm.s32 $0x2800;
	[sflag:s16] =	ssyncadd.s32 $0xFFFFC000  }
0x1f: {  	[spmem:s2] =	stream.indirect.scatter.add.f32 [tilespmem:s15], [sflag:$0x2], $0x80, s31, s14, $0xb8;
	[tilespmem:$0x1D000] =	vst v63  }
0x20: {  	_ =	swait.ge [sflag:s12], $0x4000  }
0x21: {  	s19 =	simm.s32 $0x400;
	s18 =	simm.s32 $0x200;
	[sflag:s12] =	ssyncset.done $0x0  }
.LBB2_2:
0x22: {  	s20 =	sshra.s32 s18, $0x2  }
0x23: {  	[sflag:s12] =	ssyncadd.s32 $0xFFFFC000;
	s18 =	smov.u32 s19;
	s21 =	sadd.s32 $0x200, s19  }
0x24: {  	[tilespmem:s15], [sflag:$0x1] =	stream.indirect.gather [hbm4b:s4+s14], $0x80, s20, s14, $0xb8;
	[tilespmem:$0x1D000] =	vst v63  }
0x25: {  	p0 =	sne.s32 s19, $0x9C00;
	_ =	swait.ge [sflag:s16], $0x4000  }
.Ltmp0:
0x26: {  	[sflag:s16] =	ssyncset.done $0x0;
	(pc) =	sbr.rel @p0 .LBB2_2-.Ltmp0, $4  }
0x27: {  	s19 =	sadd.s32 $0x2800, s20;
	[sflag:s16] =	ssyncadd.s32 $0xFFFFC000  }
0x28: {  	[spmem:s2] =	stream.indirect.scatter.add.f32 [tilespmem:s15], [sflag:$0x2], $0x80, s19, s14, $0xb8;
	[tilespmem:$0x1D000] =	vst v63  }
0x29: {  	_ =	swait.ge [sflag:s12], $0x4000  }
0x2a: {  	s19 =	smov.u32 s21;
	[sflag:s12] =	ssyncset.done $0x0  }
0x2b: {  	s18 =	sshra.s32 s18, $0x2;
	[sflag:s12] =	ssyncadd.s32 $0xFFFFC000  }
0x2c: {  	[tilespmem:s15], [sflag:$0x1] =	stream.indirect.gather [hbm4b:s4+s14], $0x80, s18, s14, $0xb8;
	[tilespmem:$0x1D000] =	vst v63  }
0x2d: {  	_ =	swait.ge [sflag:s16], $0x4000  }
0x2e: {  	[sflag:s16] =	ssyncset.done $0x0  }
0x2f: {  	s18 =	sadd.s32 $0x2800, s18;
	[sflag:s16] =	ssyncadd.s32 $0xFFFFC000  }
0x30: {  	[spmem:s2] =	stream.indirect.scatter.add.f32 [tilespmem:s15], [sflag:$0x2], $0x80, s18, s14, $0xb8;
	[tilespmem:$0x1D000] =	vst v63  }
0x31: {  	_ =	swait.ge [sflag:s12], $0x4000  }
0x32: {  	s17 =	sadd.s32 $0x1, s17;
	[sflag:s12] =	ssyncset.done $0x0  }
0x33: {  	p0 =	sne.s32 s17, s10;
	[sflag:s12] =	ssyncadd.s32 $0xFFFFC000  }
.Ltmp1:
0x34: {  	[bflag:$0x0] =	sbarrier.arrive $0xFFFF;
	(pc) =	sbr.rel @p0 .LBB2_1-.Ltmp1, $4  }
0x35: {  	[hbm:s9], [sflag:s6] =	dma.local [spmem:s11], $0x2800  }
0x36: {  	_ =	swait.ge [sflag:s12], $0x2800  }
0x37: {  	[sflag:s12] =	ssyncset.done $0x0  }
0x38: {  	[sflag:s12] =	ssyncadd.s32 $0xFFFFD800  }
0x39: {  	_ =	sfence.sel $0x180000  }
0x3a: {  	[bflag:$0x0] =	sbarrier.arrive $0xFFFF  }
0x3b: {  	p0 =	sne.s32 s0, $0x0;
	_ =	strace $0x9000004A  }
0x3c: {  	s0 =	sadd.s32 @!p0 $0x100000, s1;
	[bflag:$0x2] =	sbarrier.arrive $0xFFFF  }
0x3d: {  	[sflag:s0] =	ssyncadd.tile.s32 @!p0 $0x1;
	_ =	shalt  }
.Lfunc_end2:
_tile_overlayer_lowered:
.L_overlay_start_2:
0x3e: {  	(tag) =	ssettag $0x2  }
0x3f: {  	s0 =	rddreg [dreg:$0x0];
	s2 =	stileid.u32  }
0x40: {  	s1 =	rddreg [dreg:$0x1];
	p0 =	sne.s32 s2, $0x0  }
0x41: {  	s3 =	rddreg [dreg:$0x2];
	[bflag:$0x3] =	sbarrier.arrive $0xFFFF;
	s2 =	simm.s32 @!p0 $0x1C02  }
0x42: {  	[timem:s3], [sflag:s2] =	dma.local @!p0 [hbm:s0], s1  }
0x43: {  	s0 =	simm.s32 @!p0 $0x2  }
0x44: {  	_ =	swait.ge @!p0 [sflag:s0], s1  }
0x45: {  	s1 =	ssub.s32 @!p0 $0x0, s1;
	[sflag:s0] =	ssyncset.done @!p0 $0x0  }
0x46: {  	[sflag:s0] =	ssyncadd.s32 @!p0 s1  }
0x47: {  	[bflag:$0x3] =	sbarrier.arrive $0xFFFF  }
0x48: {  	_ =	shalt  }

// kernel: kernel.15.cloned.1.call-start
scs
__scs_entry_jumppad:
0x0: {  	(pc) =	sbr.rel $0x88, $3  }
0x1: {  	(tag) =	ssettag $0x0;
	lr =	simm.s32 $0x1  }
0x2: {  	[smem:$0x3F8A] =	sst lr;
	_ =	strace $0xD0000000  }
0x3: {  	_ = 	snop  }
0x4: {  	_ = 	snop  }
0x5: {  	_ = 	snop  }
0x6: {  	_ = 	snop  }
0x7: {  	_ = 	snop  }
__scs_overlays_trampoline_lowered:
0x8: {  	[smem:$0x3F99] =	sst s0  }
0x9: {  	[smem:$0x3F9A] =	sst s1  }
0xa: {  	[smem:$0x3F9B] =	sst s2  }
0xb: {  	[smem:$0x3F9C] =	sst s3  }
0xc: {  	[smem:$0x3F9D] =	sst s4  }
0xd: {  	[smem:$0x3F9E] =	sst s5  }
0xe: {  	[smem:$0x3F9F] =	sst s6  }
0xf: {  	[smem:$0x3FA0] =	sst s7  }
0x10: {  	[smem:$0x3FA1] =	sst s8  }
0x11: {  	[smem:$0x3FA2] =	sst s9;
	s0 =	simm.s32 @!p0 $0x0  }
0x12: {  	s1 =	sld [smem:$0x3F88];
	s0 =	simm.s32 @p0 $0x1  }
0x13: {  	[smem:$0x3FA3] =	sst s0;
	s0 =	simm.s32 @!p1 $0x0  }
0x14: {  	s2 =	sld [smem:$0x3F87];
	s0 =	simm.s32 @p1 $0x1  }
0x15: {  	[smem:$0x3FA4] =	sst s0;
	s0 =	simm.s32 @!p2 $0x0  }
0x16: {  	s3 =	sld [smem:$0x3FDB];
	s0 =	simm.s32 @p2 $0x1  }
0x17: {  	s4 =	simm.s32 $0x1BF5;
	[smem:$0x3FA6] =	sst s0  }
0x18: {  	s0 =	sld [smem:$0x3F89];
	_ =	swait.ge [sflag:s4], $0x0  }
0x19: {  	s7 =	sld [smem:$0x3F8A]  }
0x1a: {  	s8 =	sadd.s32 $0xFFFFE003, lr  }
0x1b: {  	s9 =	sadd.s32 $0xFFFFFEF7, lr;
	s5 =	simm.s32 $0xFFFFFFFF;
	p2 =	slt.u32 s8, $0xFFFFF086  }
0x1c: {  	p1 =	slt.u32 s9, $0xF7A;
	s5 =	simm.s32 @!p2 $0x0  }
0x1d: {  	s5 =	simm.s32 @p1 $0x1;
	p0 =	seq.s32 s7, s2  }
0x1e: {  	s7 =	smul.u32 @!p0 $0xF7A, s2;
	p2 =	seq.s32 @!p0 s5, $0x0  }
0x1f: {  	s9 =	smul.u32 $0xF7A, s1;
	s8 =	simm.s32 @!p0 $0x1BF5;
	p2 =	por !p2, p0  }
0x20: {  	[sflag:s8] =	ssyncset.s32 @!p0 $0xFFFFF086;
	s6 =	sadd.s32 @!p0 s3, s7;
	s7 =	simm.s32 @!p0 $0x108  }
0x21: {  	s3 =	sadd.s32 s3, s9;
	s6 =	sadd.s32 @!p0 $0x88, s6;
	s7 =	simm.s32 @p2 $0x1082  }
0x22: {  	[simem:s7], [sflag:s8] =	dma.local @!p0 [hbm:s6], $0xF7A  }
0x23: {  	s9 =	sor.u32 $0xD0000000, s2;
	s6 =	simm.s32 $0x108;
	_ =	swait.ge @!p0 [sflag:s8], $0x0  }
0x24: {  	s3 =	sadd.s32 $0x88, s3;
	s6 =	simm.s32 @!p1 $0x1082;
	[sflag:s4] =	ssyncset.s32 $0xFFFFF086  }
0x25: {  	[simem:s6], [sflag:s4] =	dma.local [hbm:s3], $0xF7A  }
0x26: {  	[smem:$0x3F8A] =	sst s1;
	(tag) =	ssettag s2;
	_ =	strace s9  }
0x27: {  	s1 =	sld [smem:$0x3F9A]  }
0x28: {  	s2 =	sld [smem:$0x3F9B]  }
0x29: {  	s4 =	sld [smem:$0x3F9D]  }
0x2a: {  	p0 =	seq.s32 s5, $0x0;
	s5 =	sld [smem:$0x3F9E]  }
0x2b: {  	s6 =	sld [smem:$0x3F9F]  }
0x2c: {  	s7 =	sld [smem:$0x3FA0]  }
0x2d: {  	s3 =	simm.s32 $0x108;
	s8 =	sld [smem:$0x3FA1]  }
0x2e: {  	s3 =	simm.s32 @!p0 $0x1082;
	s9 =	sld [smem:$0x3FA2]  }
0x2f: {  	lr =	sadd.s32 s0, s3;
	s0 =	sld [smem:$0x3F99]  }
0x30: {  	s3 =	sld [smem:$0x3F9C]  }
0x31: {  	[smem:$0x3FA5] =	sst s10  }
0x32: {  	s10 =	sld [smem:$0x3FA3];
	_ =	sdelay $0x3  }
0x33: {  	p0 =	seq.s32 s10, $0x1;
	s10 =	sld [smem:$0x3FA5];
	_ =	sdelay $0x3  }
0x34: {  	[smem:$0x3FA5] =	sst s10  }
0x35: {  	s10 =	sld [smem:$0x3FA4];
	_ =	sdelay $0x3  }
0x36: {  	p1 =	seq.s32 s10, $0x1;
	s10 =	sld [smem:$0x3FA5];
	_ =	sdelay $0x3  }
0x37: {  	[smem:$0x3FA5] =	sst s10  }
0x38: {  	s10 =	sld [smem:$0x3FA6]  }
0x39: {  	_ = 	snop;
	(pc) =	sbr.ind lr, $3  }
0x3a: {  	_ = 	snop  }
0x3b: {  	_ = 	snop  }
0x3c: {  	p2 =	seq.s32 s10, $0x1;
	s10 =	sld [smem:$0x3FA5]  }
0x3d: {  	_ =	shalt  }
0x3e: {  	_ =	shalt  }
0x3f: {  	_ =	shalt  }
0x40: {  	_ =	shalt  }
0x41: {  	_ =	shalt  }
0x42: {  	_ =	shalt  }
0x43: {  	_ =	shalt  }
0x44: {  	_ =	shalt  }
0x45: {  	_ =	shalt  }
0x46: {  	_ =	shalt  }
0x47: {  	_ =	shalt  }
0x48: {  	_ =	shalt  }
0x49: {  	_ =	shalt  }
0x4a: {  	_ =	shalt  }
0x4b: {  	_ =	shalt  }
0x4c: {  	_ =	shalt  }
0x4d: {  	_ =	shalt  }
0x4e: {  	_ =	shalt  }
0x4f: {  	_ =	shalt  }
0x50: {  	_ =	shalt  }
0x51: {  	_ =	shalt  }
0x52: {  	_ =	shalt  }
0x53: {  	_ =	shalt  }
0x54: {  	_ =	shalt  }
0x55: {  	_ =	shalt  }
0x56: {  	_ =	shalt  }
0x57: {  	_ =	shalt  }
0x58: {  	_ =	shalt  }
0x59: {  	_ =	shalt  }
0x5a: {  	_ =	shalt  }
0x5b: {  	_ =	shalt  }
0x5c: {  	_ =	shalt  }
0x5d: {  	_ =	shalt  }
0x5e: {  	_ =	shalt  }
0x5f: {  	_ =	shalt  }
0x60: {  	_ =	shalt  }
0x61: {  	_ =	shalt  }
0x62: {  	_ =	shalt  }
0x63: {  	_ =	shalt  }
0x64: {  	_ =	shalt  }
0x65: {  	_ =	shalt  }
0x66: {  	_ =	shalt  }
0x67: {  	_ =	shalt  }
0x68: {  	_ =	shalt  }
0x69: {  	_ =	shalt  }
0x6a: {  	_ =	shalt  }
0x6b: {  	_ =	shalt  }
0x6c: {  	_ =	shalt  }
0x6d: {  	_ =	shalt  }
0x6e: {  	_ =	shalt  }
0x6f: {  	_ =	shalt  }
0x70: {  	_ =	shalt  }
0x71: {  	_ =	shalt  }
0x72: {  	_ =	shalt  }
0x73: {  	_ =	shalt  }
0x74: {  	_ =	shalt  }
0x75: {  	_ =	shalt  }
0x76: {  	_ =	shalt  }
0x77: {  	_ =	shalt  }
0x78: {  	_ =	shalt  }
0x79: {  	_ =	shalt  }
0x7a: {  	_ =	shalt  }
0x7b: {  	_ =	shalt  }
0x7c: {  	_ =	shalt  }
0x7d: {  	_ =	shalt  }
0x7e: {  	_ =	shalt  }
0x7f: {  	_ =	shalt  }
0x80: {  	_ =	shalt  }
0x81: {  	_ =	shalt  }
0x82: {  	_ =	shalt  }
0x83: {  	_ =	shalt  }
0x84: {  	_ =	shalt  }
0x85: {  	_ =	shalt  }
0x86: {  	_ =	shalt  }
0x87: {  	_ =	shalt  }
.Lfunc_end0:
.L_simem_size_0:
called_computation.2_lowered:
.L_overlay_start_0:
0x88: {  	s2 =	sld [smem:$0x3FD9]  }
0x89: {  	s3 =	sld [smem:$0x3FFE];
	_ =	sdelay $0x1  }
0x8a: {  	s1 =	srdreg.scid  }
0x8b: {  	s0 =	sand.u32 $0x1, s1  }
0x8c: {  	s16 =	sshll.u32 s0, $0xA;
	s2 =	sadd.s32 s3, s2  }
0x8d: {  	s2 =	sadd.s32 s2, s16  }
0x8e: {  	[smem:$0x3FB1] =	sst s2  }
0x8f: {  	_ = 	snop  }
0x90: {  	(tm) =	ssettm $0x1  }
0x91: {  	s17 =	sld [smem:$0x3FFB];
	_ =	sdelay $0x3  }
0x92: {  	_ =	strace s17  }
0x93: {  	s2 =	sld [smem:$0x3FFC];
	_ =	sdelay $0x3  }
0x94: {  	_ =	strace s2  }
0x95: {  	s2 =	sld [smem:$0x3FFD];
	_ =	sdelay $0x3  }
0x96: {  	_ =	strace s2  }
0x97: {  	_ =	strace $0x8FFFFFFF  }
0x98: {  	s18 =	sld [smem:$0x3FDB];
	_ =	sdelay $0x1  }
0x99: {  	s19 =	simm.s32 $_scs_section_size  }
0x9a: {  	s4 =	simm.s32 $_size__tile_overlayer_lowered;
	s5 =	simm.s32 $_tile_overlayer_lowered  }
0x9b: {  	s22 =	simm.s32 $0x1BFF;
	s21 =	sshll.u32 s5, $0x1;
	s2 =	sadd.s32 s19, s18  }
0x9c: {  	s6 =	simm.s32 $0x0;
	s20 =	sshll.u32 s4, $0x1;
	s4 =	sadd.s32 s21, s2  }
0x9d: {  	[timem:s6], [sflag:s22] =	dma.local [hbm:s4], s20  }
0x9e: {  	_ =	swait.ge [sflag:s22], s20  }
0x9f: {  	s3 =	ssub.s32 $0x0, s20;
	[sflag:s22] =	ssyncset.done $0x0  }
0xa0: {  	[sflag:s22] =	ssyncadd.s32 s3;
	_ =	sdelay $0x1  }
0xa1: {  	s23 =	simm.s32 $0x1B8B  }
0xa2: {  	_ =	swait.ge [sflag:s23], $0x1  }
0xa3: {  	[sflag:s23] =	ssyncset.done $0x0  }
0xa4: {  	s25 =	simm.s32 $0x1B8E;
	s24 =	sld [smem:$0x3FFE];
	[sflag:s23] =	ssyncadd.s32 $0xFFFFFFFF  }
0xa5: {  	s26 =	simm.s32 $execute0_lowered;
	[smem:$0x3FD2] =	sst s25  }
0xa6: {  	s4 =	sshll.u32 s26, $0x1;
	_ =	strace $0x8000004C;
	[dreg:$0x1] =	wrdreg $0xFFFFFFFF  }
0xa7: {  	s28 =	simm.s32 $_size_execute0_lowered;
	s2 =	sadd.s32 s2, s4;
	[dreg:$0x0] =	wrdreg $0x0  }
0xa8: {  	s4 =	sshll.u32 s28, $0x1;
	[dreg:$0x2] =	wrdreg s2  }
0xa9: {  	[dreg:$0x3] =	wrdreg s4  }
0xaa: {  	[dreg:$0x4] =	wrdreg $0xC0  }
0xab: {  	_ =	task [dreg:s6], $0x5FFFF  }
0xac: {  	[dreg:$0x1] =	wrdreg $0xFFFFFFFF  }
0xad: {  	[dreg:$0x0] =	wrdreg $0x60  }
0xae: {  	[dreg:$0x2] =	wrdreg s24  }
0xaf: {  	[dreg:$0x3] =	wrdreg $0x90000  }
0xb0: {  	[dreg:$0x4] =	wrdreg $0x9  }
0xb1: {  	_ =	task.clear_ibuf [dreg:s6], $0x5FFFF;
	_ =	strace $0x9000004C  }
0xb2: {  	s29 =	simm.s32 $0x9;
	_ =	strace $0x8000004E  }
0xb3: {  	_ =	swait.ge [sflag:s29], $0x1  }
0xb4: {  	[sflag:s29] =	ssyncadd.s32 $0xFFFFFFFF  }
0xb5: {  	_ =	strace $0x9000004E  }
0xb6: {  	_ =	sfence  }
0xb7: {  	s30 =	sld [smem:$0x0];
	_ =	sdelay $0x2  }
0xb8: {  	s31 =	sshll.u32 s1, $0xD;
	s1 =	sshrl.u32 s1, $0x2  }
0xb9: {  	s3 =	sand.u32 $0x4000, s31;
	s1 =	sadd.s32 s1, s30  }
0xba: {  	s0 =	sor.u32 s3, s0;
	s1 =	sshll.u32 s1, $0x11  }
0xbb: {  	s0 =	sor.u32 s1, s0  }
0xbc: {  	s0 =	sadd.s32 $0x8F2B, s0  }
0xbd: {  	[sflag:s0] =	ssyncadd.remote.s32 $0x1  }
0xbe: {  	_ =	sfence.sel $0xFFFF  }
0xbf: {  	[dreg:$0x0] =	wrdreg $0xFFFFFFFF;
	(pc) =	sbr.abs _section_cstart, $3  }
0xc0: {  	[dreg:$0x1] =	wrdreg $0xFFFFFFFF  }
0xc1: {  	_ =	task.clear_ibuf [dreg:s6], $0x2FFFF;
	_ =	strace $0x9FFFFFFF  }
0xc2: {  	(tm) =	ssettm $0x7FFFFFFF  }
0xc3: {  	_ =	shalt  }
tec
execute0_lowered:
.L_overlay_start_1:
0x0: {  	(tag) =	ssettag $0x1  }
0x1: {  	s0 =	srdreg.scid;
	s7 =	rddreg [dreg:$0x0]  }
0x2: {  	s2 =	rddreg [dreg:$0x1];
	s3 =	simm.s32 $0x0;
	s13 =	simm.s32 $0x2800  }
0x3: {  	s14 =	simm.s32 $0x80;
	s6 =	sand.u32 $0x1, s0;
	s0 =	stileid.u32  }
0x4: {  	s15 =	simm.s32 $0x5000;
	s16 =	simm.s32 $0x1;
	s8 =	smul.u32 $0x2800, s0  }
0x5: {  	s17 =	simm.s32 $0x0;
	[smem:$0x7FF] =	sst s3;
	s9 =	smul.u32 $0x28000, s6  }
0x6: {  	s1 =	sshll.u32 s6, $0x4;
	s11 =	smul.u32 $0x50000, s0;
	s6 =	ssub.s32 $0x2, s6  }
0x7: {  	s31 =	sshll.u32 s0, $0x6;
	s4 =	sor.u32 s0, s1;
	s1 =	rddreg [dreg:$0x2]  }
0x8: {  	_ =	strace $0x8000004D;
	s28 =	sshrl.u32 s6, $0x1;
	s5 =	smul.u32 $0x500, s4  }
0x9: {  	s4 =	sadd.s32 $0x1A800, s7;
	s8 =	sadd.s32 s8, s9;
	s29 =	sshrl.u32 s11, $0x2  }
0xa: {  	s30 =	ssub.s32 s6, s28;
	s6 =	sor.u32 $0x1C02, s31;
	s9 =	sadd.s32 s8, s7  }
0xb: {  	s12 =	sadd.s32 s29, s2;
	s10 =	sadd.s32 s5, s7;
	s5 =	sadd.s32 $0x41A00, s7  }
0xc: {  	s9 =	sadd.s32 $0x44200, s9;
	s11 =	sshrl.u32 s12, $0x3;
	s12 =	simm.s32 $0x2  }
0xd: {  	s7 =	sadd.s32 $0x6800, s10;
	s8 =	sadd.s32 $0x10800, s10;
	s10 =	smax.u32 s30, $0x1  }
.LBB2_1:
0xe: {  	[spmem:s11], [sflag:s6] =	dma.local [hbm:s5], $0x2800  }
0xf: {  	_ =	swait.ge [sflag:s12], $0x2800  }
0x10: {  	[sflag:s12] =	ssyncset.done $0x0  }
0x11: {  	[sflag:s12] =	ssyncadd.s32 $0xFFFFD800  }
0x12: {  	[tilespmem:s3], [sflag:$0x2] =	stream.linear.gather [hbm4b:s7+s3], $0x2780, $0x38;
	[tilespmem:$0x1D000] =	vst v63  }
0x13: {  	_ =	swait.ge [sflag:s12], $0x2780  }
0x14: {  	[sflag:s12] =	ssyncset.done $0x0  }
0x15: {  	[sflag:s12] =	ssyncadd.s32 $0xFFFFD880  }
0x16: {  	[tilespmem:s13], [sflag:$0x2] =	stream.linear.gather [hbm4b:s8+s3], $0x2780, $0x38;
	[tilespmem:$0x1D000] =	vst v63  }
0x17: {  	_ =	swait.ge [sflag:s12], $0x2780  }
0x18: {  	[sflag:s12] =	ssyncset.done $0x0  }
0x19: {  	[sflag:s12] =	ssyncadd.s32 $0xFFFFD880  }
0x1a: {  	s18 =	simm.s32 $0x0;
	[bflag:$0x0] =	sbarrier.arrive $0xFFFF  }
0x1b: {  	[tilespmem:s15], [sflag:$0x1] =	stream.indirect.gather [hbm4b:s4+s14], $0x80, s18, s14, $0xb8;
	[tilespmem:$0x1D000] =	vst v63  }
0x1c: {  	_ =	swait.ge [sflag:s16], $0x4000  }
0x1d: {  	[sflag:s16] =	ssyncset.done $0x0  }
0x1e: {  	s31 =	simm.s32 $0x2800;
	[sflag:s16] =	ssyncadd.s32 $0xFFFFC000  }
0x1f: {  	[spmem:s2] =	stream.indirect.scatter.add.f32 [tilespmem:s15], [sflag:$0x2], $0x80, s31, s14, $0xb8;
	[tilespmem:$0x1D000] =	vst v63  }
0x20: {  	_ =	swait.ge [sflag:s12], $0x4000  }
0x21: {  	s19 =	simm.s32 $0x400;
	s18 =	simm.s32 $0x200;
	[sflag:s12] =	ssyncset.done $0x0  }
.LBB2_2:
0x22: {  	s20 =	sshra.s32 s18, $0x2  }
0x23: {  	[sflag:s12] =	ssyncadd.s32 $0xFFFFC000;
	s18 =	smov.u32 s19;
	s21 =	sadd.s32 $0x200, s19  }
0x24: {  	[tilespmem:s15], [sflag:$0x1] =	stream.indirect.gather [hbm4b:s4+s14], $0x80, s20, s14, $0xb8;
	[tilespmem:$0x1D000] =	vst v63  }
0x25: {  	p0 =	sne.s32 s19, $0x9C00;
	_ =	swait.ge [sflag:s16], $0x4000  }
.Ltmp0:
0x26: {  	[sflag:s16] =	ssyncset.done $0x0;
	(pc) =	sbr.rel @p0 .LBB2_2-.Ltmp0, $4  }
0x27: {  	s19 =	sadd.s32 $0x2800, s20;
	[sflag:s16] =	ssyncadd.s32 $0xFFFFC000  }
0x28: {  	[spmem:s2] =	stream.indirect.scatter.add.f32 [tilespmem:s15], [sflag:$0x2], $0x80, s19, s14, $0xb8;
	[tilespmem:$0x1D000] =	vst v63  }
0x29: {  	_ =	swait.ge [sflag:s12], $0x4000  }
0x2a: {  	s19 =	smov.u32 s21;
	[sflag:s12] =	ssyncset.done $0x0  }
0x2b: {  	s18 =	sshra.s32 s18, $0x2;
	[sflag:s12] =	ssyncadd.s32 $0xFFFFC000  }
0x2c: {  	[tilespmem:s15], [sflag:$0x1] =	stream.indirect.gather [hbm4b:s4+s14], $0x80, s18, s14, $0xb8;
	[tilespmem:$0x1D000] =	vst v63  }
0x2d: {  	_ =	swait.ge [sflag:s16], $0x4000  }
0x2e: {  	[sflag:s16] =	ssyncset.done $0x0  }
0x2f: {  	s18 =	sadd.s32 $0x2800, s18;
	[sflag:s16] =	ssyncadd.s32 $0xFFFFC000  }
0x30: {  	[spmem:s2] =	stream.indirect.scatter.add.f32 [tilespmem:s15], [sflag:$0x2], $0x80, s18, s14, $0xb8;
	[tilespmem:$0x1D000] =	vst v63  }
0x31: {  	_ =	swait.ge [sflag:s12], $0x4000  }
0x32: {  	s17 =	sadd.s32 $0x1, s17;
	[sflag:s12] =	ssyncset.done $0x0  }
0x33: {  	p0 =	sne.s32 s17, s10;
	[sflag:s12] =	ssyncadd.s32 $0xFFFFC000  }
.Ltmp1:
0x34: {  	[bflag:$0x0] =	sbarrier.arrive $0xFFFF;
	(pc) =	sbr.rel @p0 .LBB2_1-.Ltmp1, $4  }
0x35: {  	[hbm:s9], [sflag:s6] =	dma.local [spmem:s11], $0x2800  }
0x36: {  	_ =	swait.ge [sflag:s12], $0x2800  }
0x37: {  	[sflag:s12] =	ssyncset.done $0x0  }
0x38: {  	[sflag:s12] =	ssyncadd.s32 $0xFFFFD800  }
0x39: {  	_ =	sfence.sel $0x180000  }
0x3a: {  	[bflag:$0x0] =	sbarrier.arrive $0xFFFF  }
0x3b: {  	p0 =	sne.s32 s0, $0x0;
	_ =	strace $0x9000004D  }
0x3c: {  	s0 =	sadd.s32 @!p0 $0x100000, s1;
	[bflag:$0x2] =	sbarrier.arrive $0xFFFF  }
0x3d: {  	[sflag:s0] =	ssyncadd.tile.s32 @!p0 $0x1;
	_ =	shalt  }
.Lfunc_end2:
_tile_overlayer_lowered:
.L_overlay_start_2:
0x3e: {  	(tag) =	ssettag $0x2  }
0x3f: {  	s0 =	rddreg [dreg:$0x0];
	s2 =	stileid.u32  }
0x40: {  	s1 =	rddreg [dreg:$0x1];
	p0 =	sne.s32 s2, $0x0  }
0x41: {  	s3 =	rddreg [dreg:$0x2];
	[bflag:$0x3] =	sbarrier.arrive $0xFFFF;
	s2 =	simm.s32 @!p0 $0x1C02  }
0x42: {  	[timem:s3], [sflag:s2] =	dma.local @!p0 [hbm:s0], s1  }
0x43: {  	s0 =	simm.s32 @!p0 $0x2  }
0x44: {  	_ =	swait.ge @!p0 [sflag:s0], s1  }
0x45: {  	s1 =	ssub.s32 @!p0 $0x0, s1;
	[sflag:s0] =	ssyncset.done @!p0 $0x0  }
0x46: {  	[sflag:s0] =	ssyncadd.s32 @!p0 s1  }
0x47: {  	[bflag:$0x3] =	sbarrier.arrive $0xFFFF  }
0x48: {  	_ =	shalt  }

// kernel: kernel.9.cloned.1.call-start
scs
__scs_entry_jumppad:
0x0: {  	(pc) =	sbr.rel $0x88, $3  }
0x1: {  	(tag) =	ssettag $0x0;
	lr =	simm.s32 $0x1  }
0x2: {  	[smem:$0x3F8A] =	sst lr;
	_ =	strace $0xD0000000  }
0x3: {  	_ = 	snop  }
0x4: {  	_ = 	snop  }
0x5: {  	_ = 	snop  }
0x6: {  	_ = 	snop  }
0x7: {  	_ = 	snop  }
__scs_overlays_trampoline_lowered:
0x8: {  	[smem:$0x3F99] =	sst s0  }
0x9: {  	[smem:$0x3F9A] =	sst s1  }
0xa: {  	[smem:$0x3F9B] =	sst s2  }
0xb: {  	[smem:$0x3F9C] =	sst s3  }
0xc: {  	[smem:$0x3F9D] =	sst s4  }
0xd: {  	[smem:$0x3F9E] =	sst s5  }
0xe: {  	[smem:$0x3F9F] =	sst s6  }
0xf: {  	[smem:$0x3FA0] =	sst s7  }
0x10: {  	[smem:$0x3FA1] =	sst s8  }
0x11: {  	[smem:$0x3FA2] =	sst s9;
	s0 =	simm.s32 @!p0 $0x0  }
0x12: {  	s1 =	sld [smem:$0x3F88];
	s0 =	simm.s32 @p0 $0x1  }
0x13: {  	[smem:$0x3FA3] =	sst s0;
	s0 =	simm.s32 @!p1 $0x0  }
0x14: {  	s2 =	sld [smem:$0x3F87];
	s0 =	simm.s32 @p1 $0x1  }
0x15: {  	[smem:$0x3FA4] =	sst s0;
	s0 =	simm.s32 @!p2 $0x0  }
0x16: {  	s3 =	sld [smem:$0x3FDB];
	s0 =	simm.s32 @p2 $0x1  }
0x17: {  	s4 =	simm.s32 $0x1BF5;
	[smem:$0x3FA6] =	sst s0  }
0x18: {  	s0 =	sld [smem:$0x3F89];
	_ =	swait.ge [sflag:s4], $0x0  }
0x19: {  	s7 =	sld [smem:$0x3F8A]  }
0x1a: {  	s8 =	sadd.s32 $0xFFFFE003, lr  }
0x1b: {  	s9 =	sadd.s32 $0xFFFFFEF7, lr;
	s5 =	simm.s32 $0xFFFFFFFF;
	p2 =	slt.u32 s8, $0xFFFFF086  }
0x1c: {  	p1 =	slt.u32 s9, $0xF7A;
	s5 =	simm.s32 @!p2 $0x0  }
0x1d: {  	s5 =	simm.s32 @p1 $0x1;
	p0 =	seq.s32 s7, s2  }
0x1e: {  	s7 =	smul.u32 @!p0 $0xF7A, s2;
	p2 =	seq.s32 @!p0 s5, $0x0  }
0x1f: {  	s9 =	smul.u32 $0xF7A, s1;
	s8 =	simm.s32 @!p0 $0x1BF5;
	p2 =	por !p2, p0  }
0x20: {  	[sflag:s8] =	ssyncset.s32 @!p0 $0xFFFFF086;
	s6 =	sadd.s32 @!p0 s3, s7;
	s7 =	simm.s32 @!p0 $0x108  }
0x21: {  	s3 =	sadd.s32 s3, s9;
	s6 =	sadd.s32 @!p0 $0x88, s6;
	s7 =	simm.s32 @p2 $0x1082  }
0x22: {  	[simem:s7], [sflag:s8] =	dma.local @!p0 [hbm:s6], $0xF7A  }
0x23: {  	s9 =	sor.u32 $0xD0000000, s2;
	s6 =	simm.s32 $0x108;
	_ =	swait.ge @!p0 [sflag:s8], $0x0  }
0x24: {  	s3 =	sadd.s32 $0x88, s3;
	s6 =	simm.s32 @!p1 $0x1082;
	[sflag:s4] =	ssyncset.s32 $0xFFFFF086  }
0x25: {  	[simem:s6], [sflag:s4] =	dma.local [hbm:s3], $0xF7A  }
0x26: {  	[smem:$0x3F8A] =	sst s1;
	(tag) =	ssettag s2;
	_ =	strace s9  }
0x27: {  	s1 =	sld [smem:$0x3F9A]  }
0x28: {  	s2 =	sld [smem:$0x3F9B]  }
0x29: {  	s4 =	sld [smem:$0x3F9D]  }
0x2a: {  	p0 =	seq.s32 s5, $0x0;
	s5 =	sld [smem:$0x3F9E]  }
0x2b: {  	s6 =	sld [smem:$0x3F9F]  }
0x2c: {  	s7 =	sld [smem:$0x3FA0]  }
0x2d: {  	s3 =	simm.s32 $0x108;
	s8 =	sld [smem:$0x3FA1]  }
0x2e: {  	s3 =	simm.s32 @!p0 $0x1082;
	s9 =	sld [smem:$0x3FA2]  }
0x2f: {  	lr =	sadd.s32 s0, s3;
	s0 =	sld [smem:$0x3F99]  }
0x30: {  	s3 =	sld [smem:$0x3F9C]  }
0x31: {  	[smem:$0x3FA5] =	sst s10  }
0x32: {  	s10 =	sld [smem:$0x3FA3];
	_ =	sdelay $0x3  }
0x33: {  	p0 =	seq.s32 s10, $0x1;
	s10 =	sld [smem:$0x3FA5];
	_ =	sdelay $0x3  }
0x34: {  	[smem:$0x3FA5] =	sst s10  }
0x35: {  	s10 =	sld [smem:$0x3FA4];
	_ =	sdelay $0x3  }
0x36: {  	p1 =	seq.s32 s10, $0x1;
	s10 =	sld [smem:$0x3FA5];
	_ =	sdelay $0x3  }
0x37: {  	[smem:$0x3FA5] =	sst s10  }
0x38: {  	s10 =	sld [smem:$0x3FA6]  }
0x39: {  	_ = 	snop;
	(pc) =	sbr.ind lr, $3  }
0x3a: {  	_ = 	snop  }
0x3b: {  	_ = 	snop  }
0x3c: {  	p2 =	seq.s32 s10, $0x1;
	s10 =	sld [smem:$0x3FA5]  }
0x3d: {  	_ =	shalt  }
0x3e: {  	_ =	shalt  }
0x3f: {  	_ =	shalt  }
0x40: {  	_ =	shalt  }
0x41: {  	_ =	shalt  }
0x42: {  	_ =	shalt  }
0x43: {  	_ =	shalt  }
0x44: {  	_ =	shalt  }
0x45: {  	_ =	shalt  }
0x46: {  	_ =	shalt  }
0x47: {  	_ =	shalt  }
0x48: {  	_ =	shalt  }
0x49: {  	_ =	shalt  }
0x4a: {  	_ =	shalt  }
0x4b: {  	_ =	shalt  }
0x4c: {  	_ =	shalt  }
0x4d: {  	_ =	shalt  }
0x4e: {  	_ =	shalt  }
0x4f: {  	_ =	shalt  }
0x50: {  	_ =	shalt  }
0x51: {  	_ =	shalt  }
0x52: {  	_ =	shalt  }
0x53: {  	_ =	shalt  }
0x54: {  	_ =	shalt  }
0x55: {  	_ =	shalt  }
0x56: {  	_ =	shalt  }
0x57: {  	_ =	shalt  }
0x58: {  	_ =	shalt  }
0x59: {  	_ =	shalt  }
0x5a: {  	_ =	shalt  }
0x5b: {  	_ =	shalt  }
0x5c: {  	_ =	shalt  }
0x5d: {  	_ =	shalt  }
0x5e: {  	_ =	shalt  }
0x5f: {  	_ =	shalt  }
0x60: {  	_ =	shalt  }
0x61: {  	_ =	shalt  }
0x62: {  	_ =	shalt  }
0x63: {  	_ =	shalt  }
0x64: {  	_ =	shalt  }
0x65: {  	_ =	shalt  }
0x66: {  	_ =	shalt  }
0x67: {  	_ =	shalt  }
0x68: {  	_ =	shalt  }
0x69: {  	_ =	shalt  }
0x6a: {  	_ =	shalt  }
0x6b: {  	_ =	shalt  }
0x6c: {  	_ =	shalt  }
0x6d: {  	_ =	shalt  }
0x6e: {  	_ =	shalt  }
0x6f: {  	_ =	shalt  }
0x70: {  	_ =	shalt  }
0x71: {  	_ =	shalt  }
0x72: {  	_ =	shalt  }
0x73: {  	_ =	shalt  }
0x74: {  	_ =	shalt  }
0x75: {  	_ =	shalt  }
0x76: {  	_ =	shalt  }
0x77: {  	_ =	shalt  }
0x78: {  	_ =	shalt  }
0x79: {  	_ =	shalt  }
0x7a: {  	_ =	shalt  }
0x7b: {  	_ =	shalt  }
0x7c: {  	_ =	shalt  }
0x7d: {  	_ =	shalt  }
0x7e: {  	_ =	shalt  }
0x7f: {  	_ =	shalt  }
0x80: {  	_ =	shalt  }
0x81: {  	_ =	shalt  }
0x82: {  	_ =	shalt  }
0x83: {  	_ =	shalt  }
0x84: {  	_ =	shalt  }
0x85: {  	_ =	shalt  }
0x86: {  	_ =	shalt  }
0x87: {  	_ =	shalt  }
.Lfunc_end0:
.L_simem_size_0:
called_computation_lowered:
.L_overlay_start_0:
0x88: {  	s2 =	sld [smem:$0x3FD9]  }
0x89: {  	s3 =	sld [smem:$0x3FFE];
	_ =	sdelay $0x1  }
0x8a: {  	s1 =	srdreg.scid  }
0x8b: {  	s0 =	sand.u32 $0x1, s1  }
0x8c: {  	s16 =	sshll.u32 s0, $0xA;
	s2 =	sadd.s32 s3, s2  }
0x8d: {  	s2 =	sadd.s32 s2, s16  }
0x8e: {  	[smem:$0x3FB1] =	sst s2  }
0x8f: {  	_ = 	snop  }
0x90: {  	(tm) =	ssettm $0x1  }
0x91: {  	s17 =	sld [smem:$0x3FFB];
	_ =	sdelay $0x3  }
0x92: {  	_ =	strace s17  }
0x93: {  	s2 =	sld [smem:$0x3FFC];
	_ =	sdelay $0x3  }
0x94: {  	_ =	strace s2  }
0x95: {  	s2 =	sld [smem:$0x3FFD];
	_ =	sdelay $0x3  }
0x96: {  	_ =	strace s2  }
0x97: {  	_ =	strace $0x8FFFFFFF  }
0x98: {  	s18 =	sld [smem:$0x3FDB];
	_ =	sdelay $0x1  }
0x99: {  	s19 =	simm.s32 $_scs_section_size  }
0x9a: {  	s4 =	simm.s32 $_size__tile_overlayer_lowered;
	s5 =	simm.s32 $_tile_overlayer_lowered  }
0x9b: {  	s22 =	simm.s32 $0x1BFF;
	s21 =	sshll.u32 s5, $0x1;
	s2 =	sadd.s32 s19, s18  }
0x9c: {  	s6 =	simm.s32 $0x0;
	s20 =	sshll.u32 s4, $0x1;
	s4 =	sadd.s32 s21, s2  }
0x9d: {  	[timem:s6], [sflag:s22] =	dma.local [hbm:s4], s20  }
0x9e: {  	_ =	swait.ge [sflag:s22], s20  }
0x9f: {  	s3 =	ssub.s32 $0x0, s20;
	[sflag:s22] =	ssyncset.done $0x0  }
0xa0: {  	[sflag:s22] =	ssyncadd.s32 s3;
	_ =	sdelay $0x1  }
0xa1: {  	s23 =	simm.s32 $0x1B8B  }
0xa2: {  	_ =	swait.ge [sflag:s23], $0x1  }
0xa3: {  	[sflag:s23] =	ssyncset.done $0x0  }
0xa4: {  	s25 =	simm.s32 $0x1B8E;
	s24 =	sld [smem:$0x3FFE];
	[sflag:s23] =	ssyncadd.s32 $0xFFFFFFFF  }
0xa5: {  	s26 =	simm.s32 $execute0_lowered;
	[smem:$0x3FD2] =	sst s25  }
0xa6: {  	s4 =	sshll.u32 s26, $0x1;
	_ =	strace $0x80000046;
	[dreg:$0x1] =	wrdreg $0xFFFFFFFF  }
0xa7: {  	s28 =	simm.s32 $_size_execute0_lowered;
	s2 =	sadd.s32 s2, s4;
	[dreg:$0x0] =	wrdreg $0x0  }
0xa8: {  	s4 =	sshll.u32 s28, $0x1;
	[dreg:$0x2] =	wrdreg s2  }
0xa9: {  	[dreg:$0x3] =	wrdreg s4  }
0xaa: {  	[dreg:$0x4] =	wrdreg $0xC0  }
0xab: {  	_ =	task [dreg:s6], $0x5FFFF  }
0xac: {  	[dreg:$0x1] =	wrdreg $0xFFFFFFFF  }
0xad: {  	[dreg:$0x0] =	wrdreg $0x60  }
0xae: {  	[dreg:$0x2] =	wrdreg s24  }
0xaf: {  	[dreg:$0x3] =	wrdreg $0x90000  }
0xb0: {  	[dreg:$0x4] =	wrdreg $0x9  }
0xb1: {  	_ =	task.clear_ibuf [dreg:s6], $0x5FFFF;
	_ =	strace $0x90000046  }
0xb2: {  	s29 =	simm.s32 $0x9;
	_ =	strace $0x80000048  }
0xb3: {  	_ =	swait.ge [sflag:s29], $0x1  }
0xb4: {  	[sflag:s29] =	ssyncadd.s32 $0xFFFFFFFF  }
0xb5: {  	_ =	strace $0x90000048  }
0xb6: {  	_ =	sfence  }
0xb7: {  	s30 =	sld [smem:$0x0];
	_ =	sdelay $0x2  }
0xb8: {  	s31 =	sshll.u32 s1, $0xD;
	s1 =	sshrl.u32 s1, $0x2  }
0xb9: {  	s3 =	sand.u32 $0x4000, s31;
	s1 =	sadd.s32 s1, s30  }
0xba: {  	s0 =	sor.u32 s3, s0;
	s1 =	sshll.u32 s1, $0x11  }
0xbb: {  	s0 =	sor.u32 s1, s0  }
0xbc: {  	s0 =	sadd.s32 $0x8F2B, s0  }
0xbd: {  	[sflag:s0] =	ssyncadd.remote.s32 $0x1  }
0xbe: {  	_ =	sfence.sel $0xFFFF  }
0xbf: {  	[dreg:$0x0] =	wrdreg $0xFFFFFFFF;
	(pc) =	sbr.abs _section_cstart, $3  }
0xc0: {  	[dreg:$0x1] =	wrdreg $0xFFFFFFFF  }
0xc1: {  	_ =	task.clear_ibuf [dreg:s6], $0x2FFFF;
	_ =	strace $0x9FFFFFFF  }
0xc2: {  	(tm) =	ssettm $0x7FFFFFFF  }
0xc3: {  	_ =	shalt  }
tec
execute0_lowered:
.L_overlay_start_1:
0x0: {  	(tag) =	ssettag $0x1  }
0x1: {  	s0 =	srdreg.scid;
	s7 =	rddreg [dreg:$0x0]  }
0x2: {  	s2 =	rddreg [dreg:$0x1];
	s3 =	simm.s32 $0x0;
	s13 =	simm.s32 $0x2800  }
0x3: {  	s14 =	simm.s32 $0x80;
	s6 =	sand.u32 $0x1, s0;
	s0 =	stileid.u32  }
0x4: {  	s15 =	simm.s32 $0x5000;
	s16 =	simm.s32 $0x1;
	s8 =	smul.u32 $0x2800, s0  }
0x5: {  	s17 =	simm.s32 $0x0;
	[smem:$0x7FF] =	sst s3;
	s9 =	smul.u32 $0x28000, s6  }
0x6: {  	s1 =	sshll.u32 s6, $0x4;
	s11 =	smul.u32 $0x50000, s0;
	s6 =	ssub.s32 $0x2, s6  }
0x7: {  	s31 =	sshll.u32 s0, $0x6;
	s4 =	sor.u32 s0, s1;
	s1 =	rddreg [dreg:$0x2]  }
0x8: {  	_ =	strace $0x80000047;
	s28 =	sshrl.u32 s6, $0x1;
	s5 =	smul.u32 $0x500, s4  }
0x9: {  	s4 =	sadd.s32 $0x1A800, s7;
	s8 =	sadd.s32 s8, s9;
	s29 =	sshrl.u32 s11, $0x2  }
0xa: {  	s30 =	ssub.s32 s6, s28;
	s6 =	sor.u32 $0x1C02, s31;
	s9 =	sadd.s32 s8, s7  }
0xb: {  	s12 =	sadd.s32 s29, s2;
	s10 =	sadd.s32 s5, s7;
	s5 =	sadd.s32 $0x41A00, s7  }
0xc: {  	s9 =	sadd.s32 $0x44200, s9;
	s11 =	sshrl.u32 s12, $0x3;
	s12 =	simm.s32 $0x2  }
0xd: {  	s7 =	sadd.s32 $0x6800, s10;
	s8 =	sadd.s32 $0x10800, s10;
	s10 =	smax.u32 s30, $0x1  }
.LBB2_1:
0xe: {  	[spmem:s11], [sflag:s6] =	dma.local [hbm:s5], $0x2800  }
0xf: {  	_ =	swait.ge [sflag:s12], $0x2800  }
0x10: {  	[sflag:s12] =	ssyncset.done $0x0  }
0x11: {  	[sflag:s12] =	ssyncadd.s32 $0xFFFFD800  }
0x12: {  	[tilespmem:s3], [sflag:$0x2] =	stream.linear.gather [hbm4b:s7+s3], $0x2780, $0x38;
	[tilespmem:$0x1D000] =	vst v63  }
0x13: {  	_ =	swait.ge [sflag:s12], $0x2780  }
0x14: {  	[sflag:s12] =	ssyncset.done $0x0  }
0x15: {  	[sflag:s12] =	ssyncadd.s32 $0xFFFFD880  }
0x16: {  	[tilespmem:s13], [sflag:$0x2] =	stream.linear.gather [hbm4b:s8+s3], $0x2780, $0x38;
	[tilespmem:$0x1D000] =	vst v63  }
0x17: {  	_ =	swait.ge [sflag:s12], $0x2780  }
0x18: {  	[sflag:s12] =	ssyncset.done $0x0  }
0x19: {  	[sflag:s12] =	ssyncadd.s32 $0xFFFFD880  }
0x1a: {  	s18 =	simm.s32 $0x0;
	[bflag:$0x0] =	sbarrier.arrive $0xFFFF  }
0x1b: {  	[tilespmem:s15], [sflag:$0x1] =	stream.indirect.gather [hbm4b:s4+s14], $0x80, s18, s14, $0xb8;
	[tilespmem:$0x1D000] =	vst v63  }
0x1c: {  	_ =	swait.ge [sflag:s16], $0x4000  }
0x1d: {  	[sflag:s16] =	ssyncset.done $0x0  }
0x1e: {  	s31 =	simm.s32 $0x2800;
	[sflag:s16] =	ssyncadd.s32 $0xFFFFC000  }
0x1f: {  	[spmem:s2] =	stream.indirect.scatter.add.f32 [tilespmem:s15], [sflag:$0x2], $0x80, s31, s14, $0xb8;
	[tilespmem:$0x1D000] =	vst v63  }
0x20: {  	_ =	swait.ge [sflag:s12], $0x4000  }
0x21: {  	s19 =	simm.s32 $0x400;
	s18 =	simm.s32 $0x200;
	[sflag:s12] =	ssyncset.done $0x0  }
.LBB2_2:
0x22: {  	s20 =	sshra.s32 s18, $0x2  }
0x23: {  	[sflag:s12] =	ssyncadd.s32 $0xFFFFC000;
	s18 =	smov.u32 s19;
	s21 =	sadd.s32 $0x200, s19  }
0x24: {  	[tilespmem:s15], [sflag:$0x1] =	stream.indirect.gather [hbm4b:s4+s14], $0x80, s20, s14, $0xb8;
	[tilespmem:$0x1D000] =	vst v63  }
0x25: {  	p0 =	sne.s32 s19, $0x9C00;
	_ =	swait.ge [sflag:s16], $0x4000  }
.Ltmp0:
0x26: {  	[sflag:s16] =	ssyncset.done $0x0;
	(pc) =	sbr.rel @p0 .LBB2_2-.Ltmp0, $4  }
0x27: {  	s19 =	sadd.s32 $0x2800, s20;
	[sflag:s16] =	ssyncadd.s32 $0xFFFFC000  }
0x28: {  	[spmem:s2] =	stream.indirect.scatter.add.f32 [tilespmem:s15], [sflag:$0x2], $0x80, s19, s14, $0xb8;
	[tilespmem:$0x1D000] =	vst v63  }
0x29: {  	_ =	swait.ge [sflag:s12], $0x4000  }
0x2a: {  	s19 =	smov.u32 s21;
	[sflag:s12] =	ssyncset.done $0x0  }
0x2b: {  	s18 =	sshra.s32 s18, $0x2;
	[sflag:s12] =	ssyncadd.s32 $0xFFFFC000  }
0x2c: {  	[tilespmem:s15], [sflag:$0x1] =	stream.indirect.gather [hbm4b:s4+s14], $0x80, s18, s14, $0xb8;
	[tilespmem:$0x1D000] =	vst v63  }
0x2d: {  	_ =	swait.ge [sflag:s16], $0x4000  }
0x2e: {  	[sflag:s16] =	ssyncset.done $0x0  }
0x2f: {  	s18 =	sadd.s32 $0x2800, s18;
	[sflag:s16] =	ssyncadd.s32 $0xFFFFC000  }
0x30: {  	[spmem:s2] =	stream.indirect.scatter.add.f32 [tilespmem:s15], [sflag:$0x2], $0x80, s18, s14, $0xb8;
	[tilespmem:$0x1D000] =	vst v63  }
0x31: {  	_ =	swait.ge [sflag:s12], $0x4000  }
0x32: {  	s17 =	sadd.s32 $0x1, s17;
	[sflag:s12] =	ssyncset.done $0x0  }
0x33: {  	p0 =	sne.s32 s17, s10;
	[sflag:s12] =	ssyncadd.s32 $0xFFFFC000  }
.Ltmp1:
0x34: {  	[bflag:$0x0] =	sbarrier.arrive $0xFFFF;
	(pc) =	sbr.rel @p0 .LBB2_1-.Ltmp1, $4  }
0x35: {  	[hbm:s9], [sflag:s6] =	dma.local [spmem:s11], $0x2800  }
0x36: {  	_ =	swait.ge [sflag:s12], $0x2800  }
0x37: {  	[sflag:s12] =	ssyncset.done $0x0  }
0x38: {  	[sflag:s12] =	ssyncadd.s32 $0xFFFFD800  }
0x39: {  	_ =	sfence.sel $0x180000  }
0x3a: {  	[bflag:$0x0] =	sbarrier.arrive $0xFFFF  }
0x3b: {  	p0 =	sne.s32 s0, $0x0;
	_ =	strace $0x90000047  }
0x3c: {  	s0 =	sadd.s32 @!p0 $0x100000, s1;
	[bflag:$0x2] =	sbarrier.arrive $0xFFFF  }
0x3d: {  	[sflag:s0] =	ssyncadd.tile.s32 @!p0 $0x1;
	_ =	shalt  }
.Lfunc_end2:
_tile_overlayer_lowered:
.L_overlay_start_2:
0x3e: {  	(tag) =	ssettag $0x2  }
0x3f: {  	s0 =	rddreg [dreg:$0x0];
	s2 =	stileid.u32  }
0x40: {  	s1 =	rddreg [dreg:$0x1];
	p0 =	sne.s32 s2, $0x0  }
0x41: {  	s3 =	rddreg [dreg:$0x2];
	[bflag:$0x3] =	sbarrier.arrive $0xFFFF;
	s2 =	simm.s32 @!p0 $0x1C02  }
0x42: {  	[timem:s3], [sflag:s2] =	dma.local @!p0 [hbm:s0], s1  }
0x43: {  	s0 =	simm.s32 @!p0 $0x2  }
0x44: {  	_ =	swait.ge @!p0 [sflag:s0], s1  }
0x45: {  	s1 =	ssub.s32 @!p0 $0x0, s1;
	[sflag:s0] =	ssyncset.done @!p0 $0x0  }
0x46: {  	[sflag:s0] =	ssyncadd.s32 @!p0 s1  }
0x47: {  	[bflag:$0x3] =	sbarrier.arrive $0xFFFF  }
0x48: {  	_ =	shalt  }

</sc_bundles>
